<compile_context>
chip_gen: v7x
topology: tpu7x:2x2x1
jax: 0.10.2.dev20260603
libtpu: 0.0.44.dev20260713+nightly
codegen_flags: <defaults>
</compile_context>

<pallas_src>
import functools

import jax
import jax.numpy as jnp
from jax import lax
from jax.experimental import pallas as pl
from jax.experimental.pallas import tpu as pltpu
from jax.experimental.pallas import tpu_sc as plsc

NC = 2
NS = 16
NW = NC * NS
LANES = 16

B = 1024
L = 200
D = 64
ROWS_PER_WORKER = B // NW


def _embed_body(x_hbm, tok_hbm, pos_hbm, out_hbm,
                idx_all, rows_a, rows_b, pos_v, sg_a, sg_b, so_a, so_b):
    wid = lax.axis_index("s") * NC + lax.axis_index("c")
    pltpu.sync_copy(pos_hbm, pos_v)
    base0 = wid * ROWS_PER_WORKER * L
    pltpu.sync_copy(x_hbm.at[pl.ds(base0, ROWS_PER_WORKER * L)], idx_all)

    def start(i, rows_v, sem):
        pltpu.async_copy(
            tok_hbm.at[idx_all.at[pl.ds(i * L, L)]], rows_v, sem)

    def wait_g(rows_v, sem):
        pltpu.make_async_copy(
            tok_hbm.at[idx_all.at[pl.ds(0, L)]], rows_v, sem).wait()

    def wait_o(rows_v, sem):
        pltpu.make_async_copy(rows_v, out_hbm.at[pl.ds(0, L)], sem).wait()

    def add_store(i, rows_v, sem):
        def row_body(r, _):
            for j in range(D // LANES):
                sl = pl.ds(j * LANES, LANES)
                rows_v[r, sl] = rows_v[r, sl] + pos_v[r, sl]
            return ()

        lax.fori_loop(0, L, row_body, (), unroll=2)
        pltpu.async_copy(rows_v, out_hbm.at[pl.ds(base0 + i * L, L)], sem)

    start(0, rows_a, sg_a)

    def u_body(u, _):
        i_a = 2 * u
        start(i_a + 1, rows_b, sg_b)
        wait_g(rows_a, sg_a)

        @pl.when(u > 0)
        def _():
            wait_o(rows_a, so_a)

        add_store(i_a, rows_a, so_a)

        @pl.when(u < ROWS_PER_WORKER // 2 - 1)
        def _():
            start(i_a + 2, rows_a, sg_a)

        wait_g(rows_b, sg_b)

        @pl.when(u > 0)
        def _():
            wait_o(rows_b, so_b)

        add_store(i_a + 1, rows_b, so_b)
        return ()

    lax.fori_loop(0, ROWS_PER_WORKER // 2, u_body, ())
    wait_o(rows_a, so_a)
    wait_o(rows_b, so_b)


@jax.jit
def _embed(x_flat, token_table, pos_table):
    mesh = plsc.VectorSubcoreMesh(
        core_axis_name="c", subcore_axis_name="s", num_cores=NC, num_subcores=NS
    )
    run = pl.kernel(
        _embed_body,
        out_type=jax.ShapeDtypeStruct((B * L, D), jnp.float32),
        mesh=mesh,
        scratch_types=[
            pltpu.VMEM((ROWS_PER_WORKER * L,), jnp.int32),
            pltpu.VMEM((L, D), jnp.float32),
            pltpu.VMEM((L, D), jnp.float32),
            pltpu.VMEM((L, D), jnp.float32),
            pltpu.SemaphoreType.DMA,
            pltpu.SemaphoreType.DMA,
            pltpu.SemaphoreType.DMA,
            pltpu.SemaphoreType.DMA,
        ],
        compiler_params=pltpu.CompilerParams(use_tc_tiling_on_sc=False),
    )
    out = run(x_flat, token_table, pos_table)
    return out.reshape(B, L, D)


def kernel(x, token_table, pos_table):
    x_flat = x.reshape(-1).astype(jnp.int32)
    return _embed(x_flat, token_table, pos_table)

# --- scband reference (transcript-rebuilt; emitter-appended) ---
"""Pipeline reference for scband-token-and-position-embedding-38835094290770 (READ-ONLY COPY).

The authoritative reference and input builder live on the scoring server;
editing this copy changes nothing except your own understanding.
"""

import jax, jax.numpy as jnp
import numpy as np

VOCAB_SIZE = 1000000
CONTEXT_SIZE = 200
EMBED_DIM = 64
BATCH = 1024

def setup_inputs(seed: int = 0) -> dict:
    key = jax.random.key(seed)
    k1, k2, k3 = jax.random.split(key, 3)
    x = jax.random.randint(k1, (BATCH, CONTEXT_SIZE), 0, VOCAB_SIZE, dtype=jnp.int64 if jax.config.jax_enable_x64 else jnp.int32)
    token_table = jax.random.normal(k2, (VOCAB_SIZE, EMBED_DIM), dtype=jnp.float32) * 0.02
    pos_table = jax.random.normal(k3, (CONTEXT_SIZE, EMBED_DIM), dtype=jnp.float32) * 0.02
    return {"x": x, "token_table": token_table, "pos_table": pos_table}

def reference(x, token_table, pos_table):
    # positions = tf.range(0, tf.shape(x)[-1])
    positions = jnp.arange(x.shape[-1])
    # embedded_tokens = token_embed(x): gather rows of token table
    embedded_tokens = jnp.take(token_table, x, axis=0)  # [B, L, D]
    # embedded_positions = pos_embed(positions)
    embedded_positions = jnp.take(pos_table, positions, axis=0)  # [L, D]
    # broadcast add over batch dimension
    return embedded_tokens + embedded_positions[None, :, :]

if __name__ == "__main__":
    import jax
    _d = setup_inputs()
    print(jax.jit(kernel)(*tuple(_d.values())))

</pallas_src>

<mosaic_0001>
#map = affine_map<(d0, d1) -> (0)>
#map1 = affine_map<(d0, d1) -> (0, 0)>
module attributes {stable_mosaic.version = 14 : i64} {
  func.func @_embed_body(%arg0: i32, %arg1: i32, %arg2: memref<204800xi32, #tpu.memory_space<hbm>>, %arg3: memref<1000000x64xf32, #tpu.memory_space<hbm>>, %arg4: memref<200x64xf32, #tpu.memory_space<hbm>>, %arg5: memref<204800x64xf32, #tpu.memory_space<hbm>>, %arg6: memref<6400xi32, #tpu.memory_space<vmem>>, %arg7: memref<200x64xf32, #tpu.memory_space<vmem>>, %arg8: memref<200x64xf32, #tpu.memory_space<vmem>>, %arg9: memref<200x64xf32, #tpu.memory_space<vmem>>, %arg10: memref<!tpu.dma_semaphore, #tpu.memory_space<semaphore_mem>>, %arg11: memref<!tpu.dma_semaphore, #tpu.memory_space<semaphore_mem>>, %arg12: memref<!tpu.dma_semaphore, #tpu.memory_space<semaphore_mem>>, %arg13: memref<!tpu.dma_semaphore, #tpu.memory_space<semaphore_mem>>) attributes {dimension_semantics = [#tpu.dimension_semantics<core_parallel>, #tpu.dimension_semantics<subcore_parallel>], iteration_bounds = array<i64: 2, 16>, scalar_prefetch = 0 : i64, scratch_operands = 8 : i64, tpu.core_type = #tpu.core_type<sc_vector_subcore>, window_params = [{transform_indices = #map}, {transform_indices = #map1}, {transform_indices = #map1}, {transform_indices = #map1}]} {
    %mul3A = arith.constant 2 : i32
    %mul3A_0 = arith.muli %arg1, %mul3A : i32
    %add3A = arith.addi %mul3A_0, %arg0 : i32
    "tpu.region"() ({
      %run_scoped3A = tpu.sem_alloc : memref<!tpu.dma_semaphore, #tpu.memory_space<semaphore_mem>>
      tpu.enqueue_dma source(%arg4 : memref<200x64xf32, #tpu.memory_space<hbm>>) target(%arg9 : memref<200x64xf32, #tpu.memory_space<vmem>>) target_semaphore(%run_scoped3A : memref<!tpu.dma_semaphore, #tpu.memory_space<semaphore_mem>>)
      tpu.wait_dma2 semaphore(%run_scoped3A : memref<!tpu.dma_semaphore, #tpu.memory_space<semaphore_mem>>) src(%arg4 : memref<200x64xf32, #tpu.memory_space<hbm>>) dst(%arg9 : memref<200x64xf32, #tpu.memory_space<vmem>>)
      tpu.yield
    }) : () -> ()
    %mul3A_1 = arith.constant 32 : i32
    %mul3A_2 = arith.muli %add3A, %mul3A_1 : i32
    %mul3A_3 = arith.constant 200 : i32
    %mul3A_4 = arith.muli %mul3A_2, %mul3A_3 : i32
    "tpu.region"() ({
      %run_scoped3A = tpu.sem_alloc : memref<!tpu.dma_semaphore, #tpu.memory_space<semaphore_mem>>
      %dma_start3A_24 = tpu.memref_slice %arg2[%mul3A_4] : memref<204800xi32, #tpu.memory_space<hbm>> -> memref<6400xi32, #tpu.memory_space<hbm>>
      %dma_start3A_25 = tpu.memref_slice %arg2[%mul3A_4] : memref<204800xi32, #tpu.memory_space<hbm>> -> memref<6400xi32, #tpu.memory_space<hbm>>
      tpu.enqueue_dma source(%dma_start3A_25 : memref<6400xi32, #tpu.memory_space<hbm>>) target(%arg6 : memref<6400xi32, #tpu.memory_space<vmem>>) target_semaphore(%run_scoped3A : memref<!tpu.dma_semaphore, #tpu.memory_space<semaphore_mem>>)
      %dma_wait3A_26 = tpu.memref_slice %arg2[%mul3A_4] : memref<204800xi32, #tpu.memory_space<hbm>> -> memref<6400xi32, #tpu.memory_space<hbm>>
      %dma_wait3A_27 = tpu.memref_slice %arg2[%mul3A_4] : memref<204800xi32, #tpu.memory_space<hbm>> -> memref<6400xi32, #tpu.memory_space<hbm>>
      tpu.wait_dma2 semaphore(%run_scoped3A : memref<!tpu.dma_semaphore, #tpu.memory_space<semaphore_mem>>) src(%dma_wait3A_27 : memref<6400xi32, #tpu.memory_space<hbm>>) dst(%arg6 : memref<6400xi32, #tpu.memory_space<vmem>>)
      tpu.yield
    }) : () -> ()
    %dma_start3A = arith.constant 0 : i32
    %dma_start3A_5 = tpu.memref_slice %arg6[%dma_start3A] : memref<6400xi32, #tpu.memory_space<vmem>> -> memref<200xi32, #tpu.memory_space<vmem>>
    %dma_start3A_6 = arith.constant 0 : i32
    %dma_start3A_7 = arith.constant 0 : i32
    %dma_start3A_8 = tpu.memref_slice %arg3[%dma_start3A_6, %dma_start3A_7] : memref<1000000x64xf32, #tpu.memory_space<hbm>> -> memref<1000000x64xf32, #tpu.memory_space<hbm>>
    tpu.enqueue_indirect_dma source(%dma_start3A_8 : memref<1000000x64xf32, #tpu.memory_space<hbm>>) target(%arg7 : memref<200x64xf32, #tpu.memory_space<vmem>>) offsets(%dma_start3A_5 : memref<200xi32, #tpu.memory_space<vmem>>) semaphore(%arg10 : memref<!tpu.dma_semaphore, #tpu.memory_space<semaphore_mem>>)
    %scan3A = arith.constant 0 : i32
    %scan3A_9 = arith.constant 16 : i32
    %scan3A_10 = arith.addi %scan3A, %scan3A_9 : i32
    %scan3A_11 = arith.constant 1 : i32
    scf.for %scan3A_24 = %scan3A to %scan3A_10 step %scan3A_11  : i32 {
      %mul3A_25 = arith.constant 2 : i32
      %mul3A_26 = arith.muli %mul3A_25, %scan3A_24 : i32
      %add3A_27 = arith.constant 1 : i32
      %add3A_28 = arith.addi %mul3A_26, %add3A_27 : i32
      %mul3A_29 = arith.constant 200 : i32
      %mul3A_30 = arith.muli %add3A_28, %mul3A_29 : i32
      %dma_start3A_31 = tpu.memref_slice %arg6[%mul3A_30] : memref<6400xi32, #tpu.memory_space<vmem>> -> memref<200xi32, #tpu.memory_space<vmem>>
      %dma_start3A_32 = arith.constant 0 : i32
      %dma_start3A_33 = arith.constant 0 : i32
      %dma_start3A_34 = tpu.memref_slice %arg3[%dma_start3A_32, %dma_start3A_33] : memref<1000000x64xf32, #tpu.memory_space<hbm>> -> memref<1000000x64xf32, #tpu.memory_space<hbm>>
      tpu.enqueue_indirect_dma source(%dma_start3A_34 : memref<1000000x64xf32, #tpu.memory_space<hbm>>) target(%arg8 : memref<200x64xf32, #tpu.memory_space<vmem>>) offsets(%dma_start3A_31 : memref<200xi32, #tpu.memory_space<vmem>>) semaphore(%arg11 : memref<!tpu.dma_semaphore, #tpu.memory_space<semaphore_mem>>)
      %dma_wait3A_35 = arith.constant 0 : i32
      %dma_wait3A_36 = tpu.memref_slice %arg6[%dma_wait3A_35] : memref<6400xi32, #tpu.memory_space<vmem>> -> memref<200xi32, #tpu.memory_space<vmem>>
      %dma_wait3A_37 = arith.constant 0 : i32
      %dma_wait3A_38 = arith.constant 0 : i32
      %dma_wait3A_39 = tpu.memref_slice %arg3[%dma_wait3A_37, %dma_wait3A_38] : memref<1000000x64xf32, #tpu.memory_space<hbm>> -> memref<1000000x64xf32, #tpu.memory_space<hbm>>
      tpu.wait_indirect_dma semaphore(%arg10 : memref<!tpu.dma_semaphore, #tpu.memory_space<semaphore_mem>>) src(%dma_wait3A_39 : memref<1000000x64xf32, #tpu.memory_space<hbm>>) dst(%arg7 : memref<200x64xf32, #tpu.memory_space<vmem>>)
      %gt3A = arith.constant 0 : i32
      %gt3A_40 = arith.cmpi sgt, %scan3A_24, %gt3A : i32
      %convert_element_type3A = arith.extui %gt3A_40 : i1 to i32
      %cond3A = arith.constant 0 : i32
      %cond3A_41 = arith.cmpi ne, %convert_element_type3A, %cond3A : i32
      scf.if %cond3A_41 {
        %dma_wait3A_82 = arith.constant 0 : i32
        %dma_wait3A_83 = arith.constant 0 : i32
        %dma_wait3A_84 = tpu.memref_slice %arg5[%dma_wait3A_82, %dma_wait3A_83] : memref<204800x64xf32, #tpu.memory_space<hbm>> -> memref<200x64xf32, #tpu.memory_space<hbm>>
        %dma_wait3A_85 = arith.constant 0 : i32
        %dma_wait3A_86 = arith.constant 0 : i32
        %dma_wait3A_87 = tpu.memref_slice %arg5[%dma_wait3A_85, %dma_wait3A_86] : memref<204800x64xf32, #tpu.memory_space<hbm>> -> memref<200x64xf32, #tpu.memory_space<hbm>>
        tpu.wait_dma2 semaphore(%arg12 : memref<!tpu.dma_semaphore, #tpu.memory_space<semaphore_mem>>) src(%arg7 : memref<200x64xf32, #tpu.memory_space<vmem>>) dst(%dma_wait3A_87 : memref<200x64xf32, #tpu.memory_space<hbm>>)
      } else {
      }
      %scan3A_42 = arith.constant 0 : i32
      %scan3A_43 = arith.constant 200 : i32
      %scan3A_44 = arith.addi %scan3A_42, %scan3A_43 : i32
      %scan3A_45 = arith.constant 2 : i32
      scf.for %scan3A_82 = %scan3A_42 to %scan3A_44 step %scan3A_45  : i32 {
        %get3A = arith.index_cast %scan3A_82 : i32 to index
        %get3A_83 = arith.constant 0 : index
        %get3A_84 = tpu.vector_load %arg7[%get3A, %get3A_83] {strides = array<i32>} : memref<200x64xf32, #tpu.memory_space<vmem>>, vector<1x16xf32>,
        %get3A_85 = vector.shape_cast %get3A_84 : vector<1x16xf32> to vector<16xf32>
        %get3A_86 = arith.index_cast %scan3A_82 : i32 to index
        %get3A_87 = arith.constant 0 : index
        %get3A_88 = tpu.vector_load %arg9[%get3A_86, %get3A_87] {strides = array<i32>} : memref<200x64xf32, #tpu.memory_space<vmem>>, vector<1x16xf32>,
        %get3A_89 = vector.shape_cast %get3A_88 : vector<1x16xf32> to vector<16xf32>
        %add3A_90 = arith.addf %get3A_85, %get3A_89 : vector<16xf32>
        %swap3A = arith.index_cast %scan3A_82 : i32 to index
        %swap3A_91 = arith.constant 0 : index
        %swap3A_92 = tpu.vector_load %arg7[%swap3A, %swap3A_91] {strides = array<i32>} : memref<200x64xf32, #tpu.memory_space<vmem>>, vector<1x16xf32>,
        %swap3A_93 = vector.shape_cast %swap3A_92 : vector<1x16xf32> to vector<16xf32>
        %swap3A_94 = vector.shape_cast %add3A_90 : vector<16xf32> to vector<1x16xf32>
        tpu.vector_store %arg7[%swap3A, %swap3A_91], %swap3A_94 {strides = array<i32>} : memref<200x64xf32, #tpu.memory_space<vmem>>, vector<1x16xf32>,
        %get3A_95 = arith.index_cast %scan3A_82 : i32 to index
        %get3A_96 = arith.constant 16 : index
        %get3A_97 = tpu.vector_load %arg7[%get3A_95, %get3A_96] {strides = array<i32>} : memref<200x64xf32, #tpu.memory_space<vmem>>, vector<1x16xf32>,
        %get3A_98 = vector.shape_cast %get3A_97 : vector<1x16xf32> to vector<16xf32>
        %get3A_99 = arith.index_cast %scan3A_82 : i32 to index
        %get3A_100 = arith.constant 16 : index
        %get3A_101 = tpu.vector_load %arg9[%get3A_99, %get3A_100] {strides = array<i32>} : memref<200x64xf32, #tpu.memory_space<vmem>>, vector<1x16xf32>,
        %get3A_102 = vector.shape_cast %get3A_101 : vector<1x16xf32> to vector<16xf32>
        %add3A_103 = arith.addf %get3A_98, %get3A_102 : vector<16xf32>
        %swap3A_104 = arith.index_cast %scan3A_82 : i32 to index
        %swap3A_105 = arith.constant 16 : index
        %swap3A_106 = tpu.vector_load %arg7[%swap3A_104, %swap3A_105] {strides = array<i32>} : memref<200x64xf32, #tpu.memory_space<vmem>>, vector<1x16xf32>,
        %swap3A_107 = vector.shape_cast %swap3A_106 : vector<1x16xf32> to vector<16xf32>
        %swap3A_108 = vector.shape_cast %add3A_103 : vector<16xf32> to vector<1x16xf32>
        tpu.vector_store %arg7[%swap3A_104, %swap3A_105], %swap3A_108 {strides = array<i32>} : memref<200x64xf32, #tpu.memory_space<vmem>>, vector<1x16xf32>,
        %get3A_109 = arith.index_cast %scan3A_82 : i32 to index
        %get3A_110 = arith.constant 32 : index
        %get3A_111 = tpu.vector_load %arg7[%get3A_109, %get3A_110] {strides = array<i32>} : memref<200x64xf32, #tpu.memory_space<vmem>>, vector<1x16xf32>,
        %get3A_112 = vector.shape_cast %get3A_111 : vector<1x16xf32> to vector<16xf32>
        %get3A_113 = arith.index_cast %scan3A_82 : i32 to index
        %get3A_114 = arith.constant 32 : index
        %get3A_115 = tpu.vector_load %arg9[%get3A_113, %get3A_114] {strides = array<i32>} : memref<200x64xf32, #tpu.memory_space<vmem>>, vector<1x16xf32>,
        %get3A_116 = vector.shape_cast %get3A_115 : vector<1x16xf32> to vector<16xf32>
        %add3A_117 = arith.addf %get3A_112, %get3A_116 : vector<16xf32>
        %swap3A_118 = arith.index_cast %scan3A_82 : i32 to index
        %swap3A_119 = arith.constant 32 : index
        %swap3A_120 = tpu.vector_load %arg7[%swap3A_118, %swap3A_119] {strides = array<i32>} : memref<200x64xf32, #tpu.memory_space<vmem>>, vector<1x16xf32>,
        %swap3A_121 = vector.shape_cast %swap3A_120 : vector<1x16xf32> to vector<16xf32>
        %swap3A_122 = vector.shape_cast %add3A_117 : vector<16xf32> to vector<1x16xf32>
        tpu.vector_store %arg7[%swap3A_118, %swap3A_119], %swap3A_122 {strides = array<i32>} : memref<200x64xf32, #tpu.memory_space<vmem>>, vector<1x16xf32>,
        %get3A_123 = arith.index_cast %scan3A_82 : i32 to index
        %get3A_124 = arith.constant 48 : index
        %get3A_125 = tpu.vector_load %arg7[%get3A_123, %get3A_124] {strides = array<i32>} : memref<200x64xf32, #tpu.memory_space<vmem>>, vector<1x16xf32>,
        %get3A_126 = vector.shape_cast %get3A_125 : vector<1x16xf32> to vector<16xf32>
        %get3A_127 = arith.index_cast %scan3A_82 : i32 to index
        %get3A_128 = arith.constant 48 : index
        %get3A_129 = tpu.vector_load %arg9[%get3A_127, %get3A_128] {strides = array<i32>} : memref<200x64xf32, #tpu.memory_space<vmem>>, vector<1x16xf32>,
        %get3A_130 = vector.shape_cast %get3A_129 : vector<1x16xf32> to vector<16xf32>
        %add3A_131 = arith.addf %get3A_126, %get3A_130 : vector<16xf32>
        %swap3A_132 = arith.index_cast %scan3A_82 : i32 to index
        %swap3A_133 = arith.constant 48 : index
        %swap3A_134 = tpu.vector_load %arg7[%swap3A_132, %swap3A_133] {strides = array<i32>} : memref<200x64xf32, #tpu.memory_space<vmem>>, vector<1x16xf32>,
        %swap3A_135 = vector.shape_cast %swap3A_134 : vector<1x16xf32> to vector<16xf32>
        %swap3A_136 = vector.shape_cast %add3A_131 : vector<16xf32> to vector<1x16xf32>
        tpu.vector_store %arg7[%swap3A_132, %swap3A_133], %swap3A_136 {strides = array<i32>} : memref<200x64xf32, #tpu.memory_space<vmem>>, vector<1x16xf32>,
        %scan3A_137 = arith.constant 1 : i32
        %scan3A_138 = arith.addi %scan3A_82, %scan3A_137 : i32
        %get3A_139 = arith.index_cast %scan3A_138 : i32 to index
        %get3A_140 = arith.constant 0 : index
        %get3A_141 = tpu.vector_load %arg7[%get3A_139, %get3A_140] {strides = array<i32>} : memref<200x64xf32, #tpu.memory_space<vmem>>, vector<1x16xf32>,
        %get3A_142 = vector.shape_cast %get3A_141 : vector<1x16xf32> to vector<16xf32>
        %get3A_143 = arith.index_cast %scan3A_138 : i32 to index
        %get3A_144 = arith.constant 0 : index
        %get3A_145 = tpu.vector_load %arg9[%get3A_143, %get3A_144] {strides = array<i32>} : memref<200x64xf32, #tpu.memory_space<vmem>>, vector<1x16xf32>,
        %get3A_146 = vector.shape_cast %get3A_145 : vector<1x16xf32> to vector<16xf32>
        %add3A_147 = arith.addf %get3A_142, %get3A_146 : vector<16xf32>
        %swap3A_148 = arith.index_cast %scan3A_138 : i32 to index
        %swap3A_149 = arith.constant 0 : index
        %swap3A_150 = tpu.vector_load %arg7[%swap3A_148, %swap3A_149] {strides = array<i32>} : memref<200x64xf32, #tpu.memory_space<vmem>>, vector<1x16xf32>,
        %swap3A_151 = vector.shape_cast %swap3A_150 : vector<1x16xf32> to vector<16xf32>
        %swap3A_152 = vector.shape_cast %add3A_147 : vector<16xf32> to vector<1x16xf32>
        tpu.vector_store %arg7[%swap3A_148, %swap3A_149], %swap3A_152 {strides = array<i32>} : memref<200x64xf32, #tpu.memory_space<vmem>>, vector<1x16xf32>,
        %get3A_153 = arith.index_cast %scan3A_138 : i32 to index
        %get3A_154 = arith.constant 16 : index
        %get3A_155 = tpu.vector_load %arg7[%get3A_153, %get3A_154] {strides = array<i32>} : memref<200x64xf32, #tpu.memory_space<vmem>>, vector<1x16xf32>,
        %get3A_156 = vector.shape_cast %get3A_155 : vector<1x16xf32> to vector<16xf32>
        %get3A_157 = arith.index_cast %scan3A_138 : i32 to index
        %get3A_158 = arith.constant 16 : index
        %get3A_159 = tpu.vector_load %arg9[%get3A_157, %get3A_158] {strides = array<i32>} : memref<200x64xf32, #tpu.memory_space<vmem>>, vector<1x16xf32>,
        %get3A_160 = vector.shape_cast %get3A_159 : vector<1x16xf32> to vector<16xf32>
        %add3A_161 = arith.addf %get3A_156, %get3A_160 : vector<16xf32>
        %swap3A_162 = arith.index_cast %scan3A_138 : i32 to index
        %swap3A_163 = arith.constant 16 : index
        %swap3A_164 = tpu.vector_load %arg7[%swap3A_162, %swap3A_163] {strides = array<i32>} : memref<200x64xf32, #tpu.memory_space<vmem>>, vector<1x16xf32>,
        %swap3A_165 = vector.shape_cast %swap3A_164 : vector<1x16xf32> to vector<16xf32>
        %swap3A_166 = vector.shape_cast %add3A_161 : vector<16xf32> to vector<1x16xf32>
        tpu.vector_store %arg7[%swap3A_162, %swap3A_163], %swap3A_166 {strides = array<i32>} : memref<200x64xf32, #tpu.memory_space<vmem>>, vector<1x16xf32>,
        %get3A_167 = arith.index_cast %scan3A_138 : i32 to index
        %get3A_168 = arith.constant 32 : index
        %get3A_169 = tpu.vector_load %arg7[%get3A_167, %get3A_168] {strides = array<i32>} : memref<200x64xf32, #tpu.memory_space<vmem>>, vector<1x16xf32>,
        %get3A_170 = vector.shape_cast %get3A_169 : vector<1x16xf32> to vector<16xf32>
        %get3A_171 = arith.index_cast %scan3A_138 : i32 to index
        %get3A_172 = arith.constant 32 : index
        %get3A_173 = tpu.vector_load %arg9[%get3A_171, %get3A_172] {strides = array<i32>} : memref<200x64xf32, #tpu.memory_space<vmem>>, vector<1x16xf32>,
        %get3A_174 = vector.shape_cast %get3A_173 : vector<1x16xf32> to vector<16xf32>
        %add3A_175 = arith.addf %get3A_170, %get3A_174 : vector<16xf32>
        %swap3A_176 = arith.index_cast %scan3A_138 : i32 to index
        %swap3A_177 = arith.constant 32 : index
        %swap3A_178 = tpu.vector_load %arg7[%swap3A_176, %swap3A_177] {strides = array<i32>} : memref<200x64xf32, #tpu.memory_space<vmem>>, vector<1x16xf32>,
        %swap3A_179 = vector.shape_cast %swap3A_178 : vector<1x16xf32> to vector<16xf32>
        %swap3A_180 = vector.shape_cast %add3A_175 : vector<16xf32> to vector<1x16xf32>
        tpu.vector_store %arg7[%swap3A_176, %swap3A_177], %swap3A_180 {strides = array<i32>} : memref<200x64xf32, #tpu.memory_space<vmem>>, vector<1x16xf32>,
        %get3A_181 = arith.index_cast %scan3A_138 : i32 to index
        %get3A_182 = arith.constant 48 : index
        %get3A_183 = tpu.vector_load %arg7[%get3A_181, %get3A_182] {strides = array<i32>} : memref<200x64xf32, #tpu.memory_space<vmem>>, vector<1x16xf32>,
        %get3A_184 = vector.shape_cast %get3A_183 : vector<1x16xf32> to vector<16xf32>
        %get3A_185 = arith.index_cast %scan3A_138 : i32 to index
        %get3A_186 = arith.constant 48 : index
        %get3A_187 = tpu.vector_load %arg9[%get3A_185, %get3A_186] {strides = array<i32>} : memref<200x64xf32, #tpu.memory_space<vmem>>, vector<1x16xf32>,
        %get3A_188 = vector.shape_cast %get3A_187 : vector<1x16xf32> to vector<16xf32>
        %add3A_189 = arith.addf %get3A_184, %get3A_188 : vector<16xf32>
        %swap3A_190 = arith.index_cast %scan3A_138 : i32 to index
        %swap3A_191 = arith.constant 48 : index
        %swap3A_192 = tpu.vector_load %arg7[%swap3A_190, %swap3A_191] {strides = array<i32>} : memref<200x64xf32, #tpu.memory_space<vmem>>, vector<1x16xf32>,
        %swap3A_193 = vector.shape_cast %swap3A_192 : vector<1x16xf32> to vector<16xf32>
        %swap3A_194 = vector.shape_cast %add3A_189 : vector<16xf32> to vector<1x16xf32>
        tpu.vector_store %arg7[%swap3A_190, %swap3A_191], %swap3A_194 {strides = array<i32>} : memref<200x64xf32, #tpu.memory_space<vmem>>, vector<1x16xf32>,
      }
      %scan3A_46 = arith.constant 200 : i32
      %mul3A_47 = arith.constant 200 : i32
      %mul3A_48 = arith.muli %mul3A_26, %mul3A_47 : i32
      %add3A_49 = arith.addi %mul3A_4, %mul3A_48 : i32
      %dma_start3A_50 = arith.constant 0 : i32
      %dma_start3A_51 = tpu.memref_slice %arg5[%add3A_49, %dma_start3A_50] : memref<204800x64xf32, #tpu.memory_space<hbm>> -> memref<200x64xf32, #tpu.memory_space<hbm>>
      %dma_start3A_52 = arith.constant 0 : i32
      %dma_start3A_53 = tpu.memref_slice %arg5[%add3A_49, %dma_start3A_52] : memref<204800x64xf32, #tpu.memory_space<hbm>> -> memref<200x64xf32, #tpu.memory_space<hbm>>
      tpu.enqueue_dma source(%arg7 : memref<200x64xf32, #tpu.memory_space<vmem>>) target(%dma_start3A_53 : memref<200x64xf32, #tpu.memory_space<hbm>>) target_semaphore(%arg12 : memref<!tpu.dma_semaphore, #tpu.memory_space<semaphore_mem>>)
      %lt3A = arith.constant 15 : i32
      %lt3A_54 = arith.cmpi slt, %scan3A_24, %lt3A : i32
      %convert_element_type3A_55 = arith.extui %lt3A_54 : i1 to i32
      %cond3A_56 = arith.constant 0 : i32
      %cond3A_57 = arith.cmpi ne, %convert_element_type3A_55, %cond3A_56 : i32
      scf.if %cond3A_57 {
        %add3A_82 = arith.constant 2 : i32
        %add3A_83 = arith.addi %mul3A_26, %add3A_82 : i32
        %mul3A_84 = arith.constant 200 : i32
        %mul3A_85 = arith.muli %add3A_83, %mul3A_84 : i32
        %dma_start3A_86 = tpu.memref_slice %arg6[%mul3A_85] : memref<6400xi32, #tpu.memory_space<vmem>> -> memref<200xi32, #tpu.memory_space<vmem>>
        %dma_start3A_87 = arith.constant 0 : i32
        %dma_start3A_88 = arith.constant 0 : i32
        %dma_start3A_89 = tpu.memref_slice %arg3[%dma_start3A_87, %dma_start3A_88] : memref<1000000x64xf32, #tpu.memory_space<hbm>> -> memref<1000000x64xf32, #tpu.memory_space<hbm>>
        tpu.enqueue_indirect_dma source(%dma_start3A_89 : memref<1000000x64xf32, #tpu.memory_space<hbm>>) target(%arg7 : memref<200x64xf32, #tpu.memory_space<vmem>>) offsets(%dma_start3A_86 : memref<200xi32, #tpu.memory_space<vmem>>) semaphore(%arg10 : memref<!tpu.dma_semaphore, #tpu.memory_space<semaphore_mem>>)
      } else {
      }
      %dma_wait3A_58 = arith.constant 0 : i32
      %dma_wait3A_59 = tpu.memref_slice %arg6[%dma_wait3A_58] : memref<6400xi32, #tpu.memory_space<vmem>> -> memref<200xi32, #tpu.memory_space<vmem>>
      %dma_wait3A_60 = arith.constant 0 : i32
      %dma_wait3A_61 = arith.constant 0 : i32
      %dma_wait3A_62 = tpu.memref_slice %arg3[%dma_wait3A_60, %dma_wait3A_61] : memref<1000000x64xf32, #tpu.memory_space<hbm>> -> memref<1000000x64xf32, #tpu.memory_space<hbm>>
      tpu.wait_indirect_dma semaphore(%arg11 : memref<!tpu.dma_semaphore, #tpu.memory_space<semaphore_mem>>) src(%dma_wait3A_62 : memref<1000000x64xf32, #tpu.memory_space<hbm>>) dst(%arg8 : memref<200x64xf32, #tpu.memory_space<vmem>>)
      %gt3A_63 = arith.constant 0 : i32
      %gt3A_64 = arith.cmpi sgt, %scan3A_24, %gt3A_63 : i32
      %convert_element_type3A_65 = arith.extui %gt3A_64 : i1 to i32
      %cond3A_66 = arith.constant 0 : i32
      %cond3A_67 = arith.cmpi ne, %convert_element_type3A_65, %cond3A_66 : i32
      scf.if %cond3A_67 {
        %dma_wait3A_82 = arith.constant 0 : i32
        %dma_wait3A_83 = arith.constant 0 : i32
        %dma_wait3A_84 = tpu.memref_slice %arg5[%dma_wait3A_82, %dma_wait3A_83] : memref<204800x64xf32, #tpu.memory_space<hbm>> -> memref<200x64xf32, #tpu.memory_space<hbm>>
        %dma_wait3A_85 = arith.constant 0 : i32
        %dma_wait3A_86 = arith.constant 0 : i32
        %dma_wait3A_87 = tpu.memref_slice %arg5[%dma_wait3A_85, %dma_wait3A_86] : memref<204800x64xf32, #tpu.memory_space<hbm>> -> memref<200x64xf32, #tpu.memory_space<hbm>>
        tpu.wait_dma2 semaphore(%arg13 : memref<!tpu.dma_semaphore, #tpu.memory_space<semaphore_mem>>) src(%arg8 : memref<200x64xf32, #tpu.memory_space<vmem>>) dst(%dma_wait3A_87 : memref<200x64xf32, #tpu.memory_space<hbm>>)
      } else {
      }
      %add3A_68 = arith.constant 1 : i32
      %add3A_69 = arith.addi %mul3A_26, %add3A_68 : i32
      %scan3A_70 = arith.constant 0 : i32
      %scan3A_71 = arith.constant 200 : i32
      %scan3A_72 = arith.addi %scan3A_70, %scan3A_71 : i32
      %scan3A_73 = arith.constant 2 : i32
      scf.for %scan3A_82 = %scan3A_70 to %scan3A_72 step %scan3A_73  : i32 {
        %get3A = arith.index_cast %scan3A_82 : i32 to index
        %get3A_83 = arith.constant 0 : index
        %get3A_84 = tpu.vector_load %arg8[%get3A, %get3A_83] {strides = array<i32>} : memref<200x64xf32, #tpu.memory_space<vmem>>, vector<1x16xf32>,
        %get3A_85 = vector.shape_cast %get3A_84 : vector<1x16xf32> to vector<16xf32>
        %get3A_86 = arith.index_cast %scan3A_82 : i32 to index
        %get3A_87 = arith.constant 0 : index
        %get3A_88 = tpu.vector_load %arg9[%get3A_86, %get3A_87] {strides = array<i32>} : memref<200x64xf32, #tpu.memory_space<vmem>>, vector<1x16xf32>,
        %get3A_89 = vector.shape_cast %get3A_88 : vector<1x16xf32> to vector<16xf32>
        %add3A_90 = arith.addf %get3A_85, %get3A_89 : vector<16xf32>
        %swap3A = arith.index_cast %scan3A_82 : i32 to index
        %swap3A_91 = arith.constant 0 : index
        %swap3A_92 = tpu.vector_load %arg8[%swap3A, %swap3A_91] {strides = array<i32>} : memref<200x64xf32, #tpu.memory_space<vmem>>, vector<1x16xf32>,
        %swap3A_93 = vector.shape_cast %swap3A_92 : vector<1x16xf32> to vector<16xf32>
        %swap3A_94 = vector.shape_cast %add3A_90 : vector<16xf32> to vector<1x16xf32>
        tpu.vector_store %arg8[%swap3A, %swap3A_91], %swap3A_94 {strides = array<i32>} : memref<200x64xf32, #tpu.memory_space<vmem>>, vector<1x16xf32>,
        %get3A_95 = arith.index_cast %scan3A_82 : i32 to index
        %get3A_96 = arith.constant 16 : index
        %get3A_97 = tpu.vector_load %arg8[%get3A_95, %get3A_96] {strides = array<i32>} : memref<200x64xf32, #tpu.memory_space<vmem>>, vector<1x16xf32>,
        %get3A_98 = vector.shape_cast %get3A_97 : vector<1x16xf32> to vector<16xf32>
        %get3A_99 = arith.index_cast %scan3A_82 : i32 to index
        %get3A_100 = arith.constant 16 : index
        %get3A_101 = tpu.vector_load %arg9[%get3A_99, %get3A_100] {strides = array<i32>} : memref<200x64xf32, #tpu.memory_space<vmem>>, vector<1x16xf32>,
        %get3A_102 = vector.shape_cast %get3A_101 : vector<1x16xf32> to vector<16xf32>
        %add3A_103 = arith.addf %get3A_98, %get3A_102 : vector<16xf32>
        %swap3A_104 = arith.index_cast %scan3A_82 : i32 to index
        %swap3A_105 = arith.constant 16 : index
        %swap3A_106 = tpu.vector_load %arg8[%swap3A_104, %swap3A_105] {strides = array<i32>} : memref<200x64xf32, #tpu.memory_space<vmem>>, vector<1x16xf32>,
        %swap3A_107 = vector.shape_cast %swap3A_106 : vector<1x16xf32> to vector<16xf32>
        %swap3A_108 = vector.shape_cast %add3A_103 : vector<16xf32> to vector<1x16xf32>
        tpu.vector_store %arg8[%swap3A_104, %swap3A_105], %swap3A_108 {strides = array<i32>} : memref<200x64xf32, #tpu.memory_space<vmem>>, vector<1x16xf32>,
        %get3A_109 = arith.index_cast %scan3A_82 : i32 to index
        %get3A_110 = arith.constant 32 : index
        %get3A_111 = tpu.vector_load %arg8[%get3A_109, %get3A_110] {strides = array<i32>} : memref<200x64xf32, #tpu.memory_space<vmem>>, vector<1x16xf32>,
        %get3A_112 = vector.shape_cast %get3A_111 : vector<1x16xf32> to vector<16xf32>
        %get3A_113 = arith.index_cast %scan3A_82 : i32 to index
        %get3A_114 = arith.constant 32 : index
        %get3A_115 = tpu.vector_load %arg9[%get3A_113, %get3A_114] {strides = array<i32>} : memref<200x64xf32, #tpu.memory_space<vmem>>, vector<1x16xf32>,
        %get3A_116 = vector.shape_cast %get3A_115 : vector<1x16xf32> to vector<16xf32>
        %add3A_117 = arith.addf %get3A_112, %get3A_116 : vector<16xf32>
        %swap3A_118 = arith.index_cast %scan3A_82 : i32 to index
        %swap3A_119 = arith.constant 32 : index
        %swap3A_120 = tpu.vector_load %arg8[%swap3A_118, %swap3A_119] {strides = array<i32>} : memref<200x64xf32, #tpu.memory_space<vmem>>, vector<1x16xf32>,
        %swap3A_121 = vector.shape_cast %swap3A_120 : vector<1x16xf32> to vector<16xf32>
        %swap3A_122 = vector.shape_cast %add3A_117 : vector<16xf32> to vector<1x16xf32>
        tpu.vector_store %arg8[%swap3A_118, %swap3A_119], %swap3A_122 {strides = array<i32>} : memref<200x64xf32, #tpu.memory_space<vmem>>, vector<1x16xf32>,
        %get3A_123 = arith.index_cast %scan3A_82 : i32 to index
        %get3A_124 = arith.constant 48 : index
        %get3A_125 = tpu.vector_load %arg8[%get3A_123, %get3A_124] {strides = array<i32>} : memref<200x64xf32, #tpu.memory_space<vmem>>, vector<1x16xf32>,
        %get3A_126 = vector.shape_cast %get3A_125 : vector<1x16xf32> to vector<16xf32>
        %get3A_127 = arith.index_cast %scan3A_82 : i32 to index
        %get3A_128 = arith.constant 48 : index
        %get3A_129 = tpu.vector_load %arg9[%get3A_127, %get3A_128] {strides = array<i32>} : memref<200x64xf32, #tpu.memory_space<vmem>>, vector<1x16xf32>,
        %get3A_130 = vector.shape_cast %get3A_129 : vector<1x16xf32> to vector<16xf32>
        %add3A_131 = arith.addf %get3A_126, %get3A_130 : vector<16xf32>
        %swap3A_132 = arith.index_cast %scan3A_82 : i32 to index
        %swap3A_133 = arith.constant 48 : index
        %swap3A_134 = tpu.vector_load %arg8[%swap3A_132, %swap3A_133] {strides = array<i32>} : memref<200x64xf32, #tpu.memory_space<vmem>>, vector<1x16xf32>,
        %swap3A_135 = vector.shape_cast %swap3A_134 : vector<1x16xf32> to vector<16xf32>
        %swap3A_136 = vector.shape_cast %add3A_131 : vector<16xf32> to vector<1x16xf32>
        tpu.vector_store %arg8[%swap3A_132, %swap3A_133], %swap3A_136 {strides = array<i32>} : memref<200x64xf32, #tpu.memory_space<vmem>>, vector<1x16xf32>,
        %scan3A_137 = arith.constant 1 : i32
        %scan3A_138 = arith.addi %scan3A_82, %scan3A_137 : i32
        %get3A_139 = arith.index_cast %scan3A_138 : i32 to index
        %get3A_140 = arith.constant 0 : index
        %get3A_141 = tpu.vector_load %arg8[%get3A_139, %get3A_140] {strides = array<i32>} : memref<200x64xf32, #tpu.memory_space<vmem>>, vector<1x16xf32>,
        %get3A_142 = vector.shape_cast %get3A_141 : vector<1x16xf32> to vector<16xf32>
        %get3A_143 = arith.index_cast %scan3A_138 : i32 to index
        %get3A_144 = arith.constant 0 : index
        %get3A_145 = tpu.vector_load %arg9[%get3A_143, %get3A_144] {strides = array<i32>} : memref<200x64xf32, #tpu.memory_space<vmem>>, vector<1x16xf32>,
        %get3A_146 = vector.shape_cast %get3A_145 : vector<1x16xf32> to vector<16xf32>
        %add3A_147 = arith.addf %get3A_142, %get3A_146 : vector<16xf32>
        %swap3A_148 = arith.index_cast %scan3A_138 : i32 to index
        %swap3A_149 = arith.constant 0 : index
        %swap3A_150 = tpu.vector_load %arg8[%swap3A_148, %swap3A_149] {strides = array<i32>} : memref<200x64xf32, #tpu.memory_space<vmem>>, vector<1x16xf32>,
        %swap3A_151 = vector.shape_cast %swap3A_150 : vector<1x16xf32> to vector<16xf32>
        %swap3A_152 = vector.shape_cast %add3A_147 : vector<16xf32> to vector<1x16xf32>
        tpu.vector_store %arg8[%swap3A_148, %swap3A_149], %swap3A_152 {strides = array<i32>} : memref<200x64xf32, #tpu.memory_space<vmem>>, vector<1x16xf32>,
        %get3A_153 = arith.index_cast %scan3A_138 : i32 to index
        %get3A_154 = arith.constant 16 : index
        %get3A_155 = tpu.vector_load %arg8[%get3A_153, %get3A_154] {strides = array<i32>} : memref<200x64xf32, #tpu.memory_space<vmem>>, vector<1x16xf32>,
        %get3A_156 = vector.shape_cast %get3A_155 : vector<1x16xf32> to vector<16xf32>
        %get3A_157 = arith.index_cast %scan3A_138 : i32 to index
        %get3A_158 = arith.constant 16 : index
        %get3A_159 = tpu.vector_load %arg9[%get3A_157, %get3A_158] {strides = array<i32>} : memref<200x64xf32, #tpu.memory_space<vmem>>, vector<1x16xf32>,
        %get3A_160 = vector.shape_cast %get3A_159 : vector<1x16xf32> to vector<16xf32>
        %add3A_161 = arith.addf %get3A_156, %get3A_160 : vector<16xf32>
        %swap3A_162 = arith.index_cast %scan3A_138 : i32 to index
        %swap3A_163 = arith.constant 16 : index
        %swap3A_164 = tpu.vector_load %arg8[%swap3A_162, %swap3A_163] {strides = array<i32>} : memref<200x64xf32, #tpu.memory_space<vmem>>, vector<1x16xf32>,
        %swap3A_165 = vector.shape_cast %swap3A_164 : vector<1x16xf32> to vector<16xf32>
        %swap3A_166 = vector.shape_cast %add3A_161 : vector<16xf32> to vector<1x16xf32>
        tpu.vector_store %arg8[%swap3A_162, %swap3A_163], %swap3A_166 {strides = array<i32>} : memref<200x64xf32, #tpu.memory_space<vmem>>, vector<1x16xf32>,
        %get3A_167 = arith.index_cast %scan3A_138 : i32 to index
        %get3A_168 = arith.constant 32 : index
        %get3A_169 = tpu.vector_load %arg8[%get3A_167, %get3A_168] {strides = array<i32>} : memref<200x64xf32, #tpu.memory_space<vmem>>, vector<1x16xf32>,
        %get3A_170 = vector.shape_cast %get3A_169 : vector<1x16xf32> to vector<16xf32>
        %get3A_171 = arith.index_cast %scan3A_138 : i32 to index
        %get3A_172 = arith.constant 32 : index
        %get3A_173 = tpu.vector_load %arg9[%get3A_171, %get3A_172] {strides = array<i32>} : memref<200x64xf32, #tpu.memory_space<vmem>>, vector<1x16xf32>,
        %get3A_174 = vector.shape_cast %get3A_173 : vector<1x16xf32> to vector<16xf32>
        %add3A_175 = arith.addf %get3A_170, %get3A_174 : vector<16xf32>
        %swap3A_176 = arith.index_cast %scan3A_138 : i32 to index
        %swap3A_177 = arith.constant 32 : index
        %swap3A_178 = tpu.vector_load %arg8[%swap3A_176, %swap3A_177] {strides = array<i32>} : memref<200x64xf32, #tpu.memory_space<vmem>>, vector<1x16xf32>,
        %swap3A_179 = vector.shape_cast %swap3A_178 : vector<1x16xf32> to vector<16xf32>
        %swap3A_180 = vector.shape_cast %add3A_175 : vector<16xf32> to vector<1x16xf32>
        tpu.vector_store %arg8[%swap3A_176, %swap3A_177], %swap3A_180 {strides = array<i32>} : memref<200x64xf32, #tpu.memory_space<vmem>>, vector<1x16xf32>,
        %get3A_181 = arith.index_cast %scan3A_138 : i32 to index
        %get3A_182 = arith.constant 48 : index
        %get3A_183 = tpu.vector_load %arg8[%get3A_181, %get3A_182] {strides = array<i32>} : memref<200x64xf32, #tpu.memory_space<vmem>>, vector<1x16xf32>,
        %get3A_184 = vector.shape_cast %get3A_183 : vector<1x16xf32> to vector<16xf32>
        %get3A_185 = arith.index_cast %scan3A_138 : i32 to index
        %get3A_186 = arith.constant 48 : index
        %get3A_187 = tpu.vector_load %arg9[%get3A_185, %get3A_186] {strides = array<i32>} : memref<200x64xf32, #tpu.memory_space<vmem>>, vector<1x16xf32>,
        %get3A_188 = vector.shape_cast %get3A_187 : vector<1x16xf32> to vector<16xf32>
        %add3A_189 = arith.addf %get3A_184, %get3A_188 : vector<16xf32>
        %swap3A_190 = arith.index_cast %scan3A_138 : i32 to index
        %swap3A_191 = arith.constant 48 : index
        %swap3A_192 = tpu.vector_load %arg8[%swap3A_190, %swap3A_191] {strides = array<i32>} : memref<200x64xf32, #tpu.memory_space<vmem>>, vector<1x16xf32>,
        %swap3A_193 = vector.shape_cast %swap3A_192 : vector<1x16xf32> to vector<16xf32>
        %swap3A_194 = vector.shape_cast %add3A_189 : vector<16xf32> to vector<1x16xf32>
        tpu.vector_store %arg8[%swap3A_190, %swap3A_191], %swap3A_194 {strides = array<i32>} : memref<200x64xf32, #tpu.memory_space<vmem>>, vector<1x16xf32>,
      }
      %scan3A_74 = arith.constant 200 : i32
      %mul3A_75 = arith.constant 200 : i32
      %mul3A_76 = arith.muli %add3A_69, %mul3A_75 : i32
      %add3A_77 = arith.addi %mul3A_4, %mul3A_76 : i32
      %dma_start3A_78 = arith.constant 0 : i32
      %dma_start3A_79 = tpu.memref_slice %arg5[%add3A_77, %dma_start3A_78] : memref<204800x64xf32, #tpu.memory_space<hbm>> -> memref<200x64xf32, #tpu.memory_space<hbm>>
      %dma_start3A_80 = arith.constant 0 : i32
      %dma_start3A_81 = tpu.memref_slice %arg5[%add3A_77, %dma_start3A_80] : memref<204800x64xf32, #tpu.memory_space<hbm>> -> memref<200x64xf32, #tpu.memory_space<hbm>>
      tpu.enqueue_dma source(%arg8 : memref<200x64xf32, #tpu.memory_space<vmem>>) target(%dma_start3A_81 : memref<200x64xf32, #tpu.memory_space<hbm>>) target_semaphore(%arg13 : memref<!tpu.dma_semaphore, #tpu.memory_space<semaphore_mem>>)
    }
    %scan3A_12 = arith.constant 16 : i32
    %dma_wait3A = arith.constant 0 : i32
    %dma_wait3A_13 = arith.constant 0 : i32
    %dma_wait3A_14 = tpu.memref_slice %arg5[%dma_wait3A, %dma_wait3A_13] : memref<204800x64xf32, #tpu.memory_space<hbm>> -> memref<200x64xf32, #tpu.memory_space<hbm>>
    %dma_wait3A_15 = arith.constant 0 : i32
    %dma_wait3A_16 = arith.constant 0 : i32
    %dma_wait3A_17 = tpu.memref_slice %arg5[%dma_wait3A_15, %dma_wait3A_16] : memref<204800x64xf32, #tpu.memory_space<hbm>> -> memref<200x64xf32, #tpu.memory_space<hbm>>
    tpu.wait_dma2 semaphore(%arg12 : memref<!tpu.dma_semaphore, #tpu.memory_space<semaphore_mem>>) src(%arg7 : memref<200x64xf32, #tpu.memory_space<vmem>>) dst(%dma_wait3A_17 : memref<200x64xf32, #tpu.memory_space<hbm>>)
    %dma_wait3A_18 = arith.constant 0 : i32
    %dma_wait3A_19 = arith.constant 0 : i32
    %dma_wait3A_20 = tpu.memref_slice %arg5[%dma_wait3A_18, %dma_wait3A_19] : memref<204800x64xf32, #tpu.memory_space<hbm>> -> memref<200x64xf32, #tpu.memory_space<hbm>>
    %dma_wait3A_21 = arith.constant 0 : i32
    %dma_wait3A_22 = arith.constant 0 : i32
    %dma_wait3A_23 = tpu.memref_slice %arg5[%dma_wait3A_21, %dma_wait3A_22] : memref<204800x64xf32, #tpu.memory_space<hbm>> -> memref<200x64xf32, #tpu.memory_space<hbm>>
    tpu.wait_dma2 semaphore(%arg13 : memref<!tpu.dma_semaphore, #tpu.memory_space<semaphore_mem>>) src(%arg8 : memref<200x64xf32, #tpu.memory_space<vmem>>) dst(%dma_wait3A_23 : memref<200x64xf32, #tpu.memory_space<hbm>>)
    return
  }
}

</mosaic_0001>

<sc_bundles>
// kernel: _embed.3.cloned.1.call-start
scs
__scs_entry_jumppad:
0x0: {  	(pc) =	sbr.rel $0x88, $3  }
0x1: {  	(tag) =	ssettag $0x0;
	lr =	simm.s32 $0x1  }
0x2: {  	[smem:$0x3F9E] =	sst lr;
	_ =	strace $0xD0000000  }
0x3: {  	_ = 	snop  }
0x4: {  	_ = 	snop  }
0x5: {  	_ = 	snop  }
0x6: {  	_ = 	snop  }
0x7: {  	_ = 	snop  }
__scs_overlays_trampoline_lowered:
0x8: {  	[smem:$0x3FAD] =	sst s0  }
0x9: {  	[smem:$0x3FAE] =	sst s1  }
0xa: {  	[smem:$0x3FAF] =	sst s2  }
0xb: {  	[smem:$0x3FB0] =	sst s3  }
0xc: {  	[smem:$0x3FB1] =	sst s4  }
0xd: {  	[smem:$0x3FB2] =	sst s5  }
0xe: {  	[smem:$0x3FB3] =	sst s6  }
0xf: {  	[smem:$0x3FB4] =	sst s7  }
0x10: {  	[smem:$0x3FB5] =	sst s8  }
0x11: {  	[smem:$0x3FB6] =	sst s9;
	s0 =	simm.s32 @!p0 $0x0  }
0x12: {  	s1 =	sld [smem:$0x3F9C];
	s0 =	simm.s32 @p0 $0x1  }
0x13: {  	[smem:$0x3FB7] =	sst s0;
	s0 =	simm.s32 @!p1 $0x0  }
0x14: {  	s2 =	sld [smem:$0x3F9B];
	s0 =	simm.s32 @p1 $0x1  }
0x15: {  	[smem:$0x3FB8] =	sst s0;
	s0 =	simm.s32 @!p2 $0x0  }
0x16: {  	s3 =	sld [smem:$0x3FDB];
	s0 =	simm.s32 @p2 $0x1  }
0x17: {  	s4 =	simm.s32 $0x1BF5;
	[smem:$0x3FBA] =	sst s0  }
0x18: {  	s0 =	sld [smem:$0x3F9D];
	_ =	swait.ge [sflag:s4], $0x0  }
0x19: {  	s7 =	sld [smem:$0x3F9E]  }
0x1a: {  	s8 =	sadd.s32 $0xFFFFE003, lr  }
0x1b: {  	s9 =	sadd.s32 $0xFFFFFEF7, lr;
	s5 =	simm.s32 $0xFFFFFFFF;
	p2 =	slt.u32 s8, $0xFFFFF086  }
0x1c: {  	p1 =	slt.u32 s9, $0xF7A;
	s5 =	simm.s32 @!p2 $0x0  }
0x1d: {  	s5 =	simm.s32 @p1 $0x1;
	p0 =	seq.s32 s7, s2  }
0x1e: {  	s7 =	smul.u32 @!p0 $0xF7A, s2;
	p2 =	seq.s32 @!p0 s5, $0x0  }
0x1f: {  	s9 =	smul.u32 $0xF7A, s1;
	s8 =	simm.s32 @!p0 $0x1BF5;
	p2 =	por !p2, p0  }
0x20: {  	[sflag:s8] =	ssyncset.s32 @!p0 $0xFFFFF086;
	s6 =	sadd.s32 @!p0 s3, s7;
	s7 =	simm.s32 @!p0 $0x108  }
0x21: {  	s3 =	sadd.s32 s3, s9;
	s6 =	sadd.s32 @!p0 $0x88, s6;
	s7 =	simm.s32 @p2 $0x1082  }
0x22: {  	[simem:s7], [sflag:s8] =	dma.local @!p0 [hbm:s6], $0xF7A  }
0x23: {  	s9 =	sor.u32 $0xD0000000, s2;
	s6 =	simm.s32 $0x108;
	_ =	swait.ge @!p0 [sflag:s8], $0x0  }
0x24: {  	s3 =	sadd.s32 $0x88, s3;
	s6 =	simm.s32 @!p1 $0x1082;
	[sflag:s4] =	ssyncset.s32 $0xFFFFF086  }
0x25: {  	[simem:s6], [sflag:s4] =	dma.local [hbm:s3], $0xF7A  }
0x26: {  	[smem:$0x3F9E] =	sst s1;
	(tag) =	ssettag s2;
	_ =	strace s9  }
0x27: {  	s1 =	sld [smem:$0x3FAE]  }
0x28: {  	s2 =	sld [smem:$0x3FAF]  }
0x29: {  	s4 =	sld [smem:$0x3FB1]  }
0x2a: {  	p0 =	seq.s32 s5, $0x0;
	s5 =	sld [smem:$0x3FB2]  }
0x2b: {  	s6 =	sld [smem:$0x3FB3]  }
0x2c: {  	s7 =	sld [smem:$0x3FB4]  }
0x2d: {  	s3 =	simm.s32 $0x108;
	s8 =	sld [smem:$0x3FB5]  }
0x2e: {  	s3 =	simm.s32 @!p0 $0x1082;
	s9 =	sld [smem:$0x3FB6]  }
0x2f: {  	lr =	sadd.s32 s0, s3;
	s0 =	sld [smem:$0x3FAD]  }
0x30: {  	s3 =	sld [smem:$0x3FB0]  }
0x31: {  	[smem:$0x3FB9] =	sst s10  }
0x32: {  	s10 =	sld [smem:$0x3FB7];
	_ =	sdelay $0x3  }
0x33: {  	p0 =	seq.s32 s10, $0x1;
	s10 =	sld [smem:$0x3FB9];
	_ =	sdelay $0x3  }
0x34: {  	[smem:$0x3FB9] =	sst s10  }
0x35: {  	s10 =	sld [smem:$0x3FB8];
	_ =	sdelay $0x3  }
0x36: {  	p1 =	seq.s32 s10, $0x1;
	s10 =	sld [smem:$0x3FB9];
	_ =	sdelay $0x3  }
0x37: {  	[smem:$0x3FB9] =	sst s10  }
0x38: {  	s10 =	sld [smem:$0x3FBA]  }
0x39: {  	_ = 	snop;
	(pc) =	sbr.ind lr, $3  }
0x3a: {  	_ = 	snop  }
0x3b: {  	_ = 	snop  }
0x3c: {  	p2 =	seq.s32 s10, $0x1;
	s10 =	sld [smem:$0x3FB9]  }
0x3d: {  	_ =	shalt  }
0x3e: {  	_ =	shalt  }
0x3f: {  	_ =	shalt  }
0x40: {  	_ =	shalt  }
0x41: {  	_ =	shalt  }
0x42: {  	_ =	shalt  }
0x43: {  	_ =	shalt  }
0x44: {  	_ =	shalt  }
0x45: {  	_ =	shalt  }
0x46: {  	_ =	shalt  }
0x47: {  	_ =	shalt  }
0x48: {  	_ =	shalt  }
0x49: {  	_ =	shalt  }
0x4a: {  	_ =	shalt  }
0x4b: {  	_ =	shalt  }
0x4c: {  	_ =	shalt  }
0x4d: {  	_ =	shalt  }
0x4e: {  	_ =	shalt  }
0x4f: {  	_ =	shalt  }
0x50: {  	_ =	shalt  }
0x51: {  	_ =	shalt  }
0x52: {  	_ =	shalt  }
0x53: {  	_ =	shalt  }
0x54: {  	_ =	shalt  }
0x55: {  	_ =	shalt  }
0x56: {  	_ =	shalt  }
0x57: {  	_ =	shalt  }
0x58: {  	_ =	shalt  }
0x59: {  	_ =	shalt  }
0x5a: {  	_ =	shalt  }
0x5b: {  	_ =	shalt  }
0x5c: {  	_ =	shalt  }
0x5d: {  	_ =	shalt  }
0x5e: {  	_ =	shalt  }
0x5f: {  	_ =	shalt  }
0x60: {  	_ =	shalt  }
0x61: {  	_ =	shalt  }
0x62: {  	_ =	shalt  }
0x63: {  	_ =	shalt  }
0x64: {  	_ =	shalt  }
0x65: {  	_ =	shalt  }
0x66: {  	_ =	shalt  }
0x67: {  	_ =	shalt  }
0x68: {  	_ =	shalt  }
0x69: {  	_ =	shalt  }
0x6a: {  	_ =	shalt  }
0x6b: {  	_ =	shalt  }
0x6c: {  	_ =	shalt  }
0x6d: {  	_ =	shalt  }
0x6e: {  	_ =	shalt  }
0x6f: {  	_ =	shalt  }
0x70: {  	_ =	shalt  }
0x71: {  	_ =	shalt  }
0x72: {  	_ =	shalt  }
0x73: {  	_ =	shalt  }
0x74: {  	_ =	shalt  }
0x75: {  	_ =	shalt  }
0x76: {  	_ =	shalt  }
0x77: {  	_ =	shalt  }
0x78: {  	_ =	shalt  }
0x79: {  	_ =	shalt  }
0x7a: {  	_ =	shalt  }
0x7b: {  	_ =	shalt  }
0x7c: {  	_ =	shalt  }
0x7d: {  	_ =	shalt  }
0x7e: {  	_ =	shalt  }
0x7f: {  	_ =	shalt  }
0x80: {  	_ =	shalt  }
0x81: {  	_ =	shalt  }
0x82: {  	_ =	shalt  }
0x83: {  	_ =	shalt  }
0x84: {  	_ =	shalt  }
0x85: {  	_ =	shalt  }
0x86: {  	_ =	shalt  }
0x87: {  	_ =	shalt  }
.Lfunc_end0:
.L_simem_size_0:
called_computation.1_lowered:
.L_overlay_start_0:
0x88: {  	s2 =	sld [smem:$0x3FD9]  }
0x89: {  	s3 =	sld [smem:$0x3FFE];
	_ =	sdelay $0x1  }
0x8a: {  	s1 =	srdreg.scid  }
0x8b: {  	s0 =	sand.u32 $0x1, s1  }
0x8c: {  	s17 =	sshll.u32 s0, $0xA;
	s2 =	sadd.s32 s3, s2  }
0x8d: {  	s2 =	sadd.s32 s2, s17  }
0x8e: {  	[smem:$0x3FC5] =	sst s2  }
0x8f: {  	_ = 	snop  }
0x90: {  	s2 =	sld [smem:$0x3FC9]  }
0x91: {  	s18 =	sld [smem:$0x3FD0];
	(tm) =	ssettm $0x1  }
0x92: {  	s4 =	sld [smem:$0x3FFB];
	_ =	sdelay $0x3  }
0x93: {  	_ =	strace s4  }
0x94: {  	s4 =	sld [smem:$0x3FFC];
	_ =	sdelay $0x3  }
0x95: {  	_ =	strace s4  }
0x96: {  	s4 =	sld [smem:$0x3FFD];
	_ =	sdelay $0x3  }
0x97: {  	_ =	strace s4  }
0x98: {  	_ =	strace $0x8FFFFFFF  }
0x99: {  	s19 =	sld [smem:$0x3FDB];
	_ =	sdelay $0x1  }
0x9a: {  	s5 =	simm.s32 $_scs_section_size  }
0x9b: {  	s6 =	simm.s32 $_size__tile_overlayer_lowered;
	s7 =	simm.s32 $_tile_overlayer_lowered  }
0x9c: {  	s22 =	simm.s32 $0x1BFF;
	s21 =	sshll.u32 s7, $0x1;
	s4 =	sadd.s32 s5, s19  }
0x9d: {  	s8 =	simm.s32 $0x0;
	s20 =	sshll.u32 s6, $0x1;
	s6 =	sadd.s32 s21, s4  }
0x9e: {  	[timem:s8], [sflag:s22] =	dma.local [hbm:s6], s20  }
0x9f: {  	_ =	swait.ge [sflag:s22], s20  }
0xa0: {  	s5 =	ssub.s32 $0x0, s20;
	[sflag:s22] =	ssyncset.done $0x0  }
0xa1: {  	[sflag:s22] =	ssyncadd.s32 s5;
	_ =	sdelay $0x1  }
0xa2: {  	s23 =	simm.s32 $0x1B8B  }
0xa3: {  	_ =	swait.ge [sflag:s23], $0x1  }
0xa4: {  	[sflag:s23] =	ssyncset.done $0x0  }
0xa5: {  	s25 =	simm.s32 $0x1B8E;
	s24 =	sld [smem:$0x3FFE];
	[sflag:s23] =	ssyncadd.s32 $0xFFFFFFFF  }
0xa6: {  	s26 =	simm.s32 $execute0_lowered;
	[smem:$0x3FD2] =	sst s25  }
0xa7: {  	s6 =	sshll.u32 s26, $0x1;
	_ =	strace $0x80000046;
	[dreg:$0x1] =	wrdreg $0xFFFFFFFF  }
0xa8: {  	s28 =	simm.s32 $_size_execute0_lowered;
	s4 =	sadd.s32 s4, s6;
	[dreg:$0x0] =	wrdreg $0x0  }
0xa9: {  	s6 =	sshll.u32 s28, $0x1;
	[dreg:$0x2] =	wrdreg s4  }
0xaa: {  	[dreg:$0x3] =	wrdreg s6  }
0xab: {  	[dreg:$0x4] =	wrdreg $0xC0  }
0xac: {  	_ =	task [dreg:s8], $0x5FFFF  }
0xad: {  	[dreg:$0x1] =	wrdreg $0xFFFFFFFF  }
0xae: {  	[dreg:$0x0] =	wrdreg $0x60  }
0xaf: {  	[dreg:$0x2] =	wrdreg s2  }
0xb0: {  	[dreg:$0x3] =	wrdreg s24  }
0xb1: {  	[dreg:$0x4] =	wrdreg s18  }
0xb2: {  	[dreg:$0x5] =	wrdreg $0x9  }
0xb3: {  	_ =	task.clear_ibuf [dreg:s8], $0x6FFFF;
	_ =	strace $0x90000046  }
0xb4: {  	s29 =	simm.s32 $0x9;
	_ =	strace $0x80000048  }
0xb5: {  	_ =	swait.ge [sflag:s29], $0x1  }
0xb6: {  	[sflag:s29] =	ssyncadd.s32 $0xFFFFFFFF  }
0xb7: {  	_ =	strace $0x90000048  }
0xb8: {  	_ =	sfence  }
0xb9: {  	s30 =	sld [smem:$0x0];
	_ =	sdelay $0x2  }
0xba: {  	s31 =	sshll.u32 s1, $0xD;
	s1 =	sshrl.u32 s1, $0x2  }
0xbb: {  	s3 =	sand.u32 $0x4000, s31;
	s1 =	sadd.s32 s1, s30  }
0xbc: {  	s0 =	sor.u32 s3, s0;
	s1 =	sshll.u32 s1, $0x11  }
0xbd: {  	s0 =	sor.u32 s1, s0  }
0xbe: {  	s0 =	sadd.s32 $0x8F2B, s0  }
0xbf: {  	[sflag:s0] =	ssyncadd.remote.s32 $0x1  }
0xc0: {  	_ =	sfence.sel $0xFFFF  }
0xc1: {  	[dreg:$0x0] =	wrdreg $0xFFFFFFFF;
	(pc) =	sbr.abs _section_cstart, $3  }
0xc2: {  	[dreg:$0x1] =	wrdreg $0xFFFFFFFF  }
0xc3: {  	_ =	task.clear_ibuf [dreg:s8], $0x2FFFF;
	_ =	strace $0x9FFFFFFF  }
0xc4: {  	(tm) =	ssettm $0x7FFFFFFF  }
0xc5: {  	_ =	shalt  }
tec
execute0_lowered:
.L_overlay_start_1:
0x0: {  	(tag) =	ssettag $0x1  }
0x1: {  	s7 =	rddreg [dreg:$0x0]  }
0x2: {  	s6 =	rddreg [dreg:$0x1]  }
0x3: {  	s1 =	srdreg.scid;
	s0 =	stileid.u32  }
0x4: {  	s2 =	rddreg [dreg:$0x2];
	s3 =	simm.s32 $0x0;
	s10 =	simm.s32 $0x5  }
0x5: {  	s11 =	simm.s32 $0xC8;
	s12 =	simm.s32 $0x1900;
	s13 =	simm.s32 $0x4B00  }
0x6: {  	s14 =	simm.s32 $0x1;
	s15 =	simm.s32 $0x2;
	s16 =	simm.s32 $0x4  }
0x7: {  	s17 =	simm.s32 $0x3;
	s4 =	sand.u32 $0x1, s1;
	s5 =	sshll.u32 s0, $0x1  }
0x8: {  	s18 =	simm.s32 $0x0;
	s1 =	rddreg [dreg:$0x3];
	s5 =	sor.u32 s4, s5  }
0x9: {  	[smem:$0x7FF] =	sst s3;
	s8 =	ssub.s32 $0x2, s4;
	s4 =	smul.u32 $0x1900, s5  }
0xa: {  	_ =	strace $0x80000047;
	s5 =	sadd.s32 $0xF42E00, s6;
	s9 =	sshrl.u32 s8, $0x1  }
0xb: {  	s6 =	sadd.s32 $0xA00, s6;
	s8 =	ssub.s32 s8, s9;
	s31 =	sshrl.u32 s4, $0x3  }
0xc: {  	s9 =	simm.s32 $0x7D00;
	s8 =	smax.u32 s8, $0x1;
	s7 =	sadd.s32 s7, s31  }
.LBB2_1:
0xd: {  	[tilespmem:s9], [sflag:$0x5] =	stream.linear.gather [hbm4b:s6+s3], $0x3200, $0x38;
	[tilespmem:$0xAF00] =	vst v63  }
0xe: {  	_ =	swait.ge [sflag:s10], $0x3200  }
0xf: {  	[sflag:s10] =	ssyncset.done $0x0  }
0x10: {  	[sflag:s10] =	ssyncadd.s32 $0xFFFFCE00  }
0x11: {  	[tilespmem:s3], [sflag:$0x5] =	stream.linear.gather [hbm4b:s7+s3], $0x1900, $0x38;
	[tilespmem:$0xAF00] =	vst v63  }
0x12: {  	_ =	swait.ge [sflag:s10], $0x1900  }
0x13: {  	[sflag:s10] =	ssyncset.done $0x0  }
0x14: {  	s19 =	simm.s32 $0x0;
	[sflag:s10] =	ssyncadd.s32 $0xFFFFE700  }
0x15: {  	[tilespmem:s12], [sflag:$0x1] =	stream.indirect.gather [hbm4b:s5+s11], $0x40, s3, s11, $0xb8;
	[tilespmem:$0xAF00] =	vst v63  }
.LBB2_2:
0x16: {  	s21 =	smul.u32 $0x190, s19;
	_ =	sdelay $0x1  }
0x17: {  	s20 =	sadd.s32 $0xC8, s21  }
0x18: {  	[tilespmem:s13], [sflag:$0x2] =	stream.indirect.gather [hbm4b:s5+s11], $0x40, s20, s11, $0xb8;
	[tilespmem:$0xAF00] =	vst v63  }
0x19: {  	_ =	swait.ge [sflag:s14], $0x3200  }
0x1a: {  	p0 =	seq.s32 s19, $0x0;
	[sflag:s14] =	ssyncset.done $0x0  }
0x1b: {  	s22 =	simm.s32 @!p0 $0x3;
	[sflag:s14] =	ssyncadd.s32 $0xFFFFCE00  }
0x1c: {  	_ =	swait.ge @!p0 [sflag:s22], $0x3200  }
0x1d: {  	[sflag:s22] =	ssyncset.done @!p0 $0x0  }
0x1e: {  	[sflag:s22] =	ssyncadd.s32 @!p0 $0xFFFFCE00;
	s22 =	simm.s32 $0x1940  }
0x1f: {  	s23 =	simm.s32 $0x7D40;
	v0 =	vld [tilespmem:s22+$0xFFFFFFC0]  }
0x20: {  	v1 =	vld [tilespmem:s23+$0xFFFFFFC0];
	_ =	sdelay $0x4  }
0x21: {  	v0 =	vadd.f32 v1, v0;
	_ =	sdelay $0x1  }
0x22: {  	[tilespmem:s22+$0xFFFFFFC0] =	vst v0;
	v0 =	vld [tilespmem:s22+$0xFFFFFFD0]  }
0x23: {  	v1 =	vld [tilespmem:s23+$0xFFFFFFD0];
	_ =	sdelay $0x4  }
0x24: {  	v0 =	vadd.f32 v1, v0;
	_ =	sdelay $0x1  }
0x25: {  	[tilespmem:s22+$0xFFFFFFD0] =	vst v0;
	v0 =	vld [tilespmem:s22+$0xFFFFFFE0]  }
0x26: {  	v1 =	vld [tilespmem:s23+$0xFFFFFFE0];
	_ =	sdelay $0x4  }
0x27: {  	v0 =	vadd.f32 v1, v0;
	_ =	sdelay $0x1  }
0x28: {  	[tilespmem:s22+$0xFFFFFFE0] =	vst v0;
	v0 =	vld [tilespmem:s22+$0xFFFFFFF0]  }
0x29: {  	v1 =	vld [tilespmem:s23+$0xFFFFFFF0];
	_ =	sdelay $0x4  }
0x2a: {  	v0 =	vadd.f32 v1, v0;
	_ =	sdelay $0x1  }
0x2b: {  	[tilespmem:s22+$0xFFFFFFF0] =	vst v0;
	v0 =	vld [tilespmem:s22+$0x0]  }
0x2c: {  	v1 =	vld [tilespmem:s23+$0x0];
	_ =	sdelay $0x4  }
0x2d: {  	v0 =	vadd.f32 v1, v0;
	_ =	sdelay $0x1  }
0x2e: {  	[tilespmem:s22+$0x0] =	vst v0;
	v0 =	vld [tilespmem:s22+$0x10]  }
0x2f: {  	v1 =	vld [tilespmem:s23+$0x10];
	_ =	sdelay $0x4  }
0x30: {  	v0 =	vadd.f32 v1, v0;
	_ =	sdelay $0x1  }
0x31: {  	[tilespmem:s22+$0x10] =	vst v0;
	v0 =	vld [tilespmem:s22+$0x20]  }
0x32: {  	v1 =	vld [tilespmem:s23+$0x20];
	_ =	sdelay $0x4  }
0x33: {  	v0 =	vadd.f32 v1, v0;
	_ =	sdelay $0x1  }
0x34: {  	[tilespmem:s22+$0x20] =	vst v0;
	v0 =	vld [tilespmem:s22+$0x30]  }
0x35: {  	v1 =	vld [tilespmem:s23+$0x30];
	_ =	sdelay $0x4  }
0x36: {  	v0 =	vadd.f32 v1, v0  }
0x37: {  	s24 =	simm.s32 $0x0;
	s25 =	simm.s32 $0x19C0  }
.LBB2_3:
0x38: {  	v1 =	vld [tilespmem:s25+$0xFFFFFFC0];
	[tilespmem:s22+$0x30] =	vst v0;
	s23 =	sadd.s32 $0x80, s23;
	s22 =	smov.u32 s25  }
0x39: {  	s24 =	sadd.s32 $0x2, s24;
	v0 =	vld [tilespmem:s23+$0xFFFFFFC0]  }
0x3a: {  	p1 =	slt.u32 s24, $0xC6;
	_ =	sdelay $0x3  }
0x3b: {  	v0 =	vadd.f32 v0, v1;
	_ =	sdelay $0x1  }
0x3c: {  	[tilespmem:s25+$0xFFFFFFC0] =	vst v0;
	v0 =	vld [tilespmem:s25+$0xFFFFFFD0]  }
0x3d: {  	v1 =	vld [tilespmem:s23+$0xFFFFFFD0];
	_ =	sdelay $0x4  }
0x3e: {  	v0 =	vadd.f32 v1, v0;
	_ =	sdelay $0x1  }
0x3f: {  	[tilespmem:s25+$0xFFFFFFD0] =	vst v0;
	v0 =	vld [tilespmem:s25+$0xFFFFFFE0]  }
0x40: {  	v1 =	vld [tilespmem:s23+$0xFFFFFFE0];
	_ =	sdelay $0x4  }
0x41: {  	v0 =	vadd.f32 v1, v0;
	_ =	sdelay $0x1  }
0x42: {  	[tilespmem:s25+$0xFFFFFFE0] =	vst v0;
	v0 =	vld [tilespmem:s25+$0xFFFFFFF0]  }
0x43: {  	v1 =	vld [tilespmem:s23+$0xFFFFFFF0];
	_ =	sdelay $0x4  }
0x44: {  	v0 =	vadd.f32 v1, v0;
	_ =	sdelay $0x1  }
0x45: {  	[tilespmem:s25+$0xFFFFFFF0] =	vst v0;
	v0 =	vld [tilespmem:s25+$0x0]  }
0x46: {  	v1 =	vld [tilespmem:s23+$0x0];
	_ =	sdelay $0x4  }
0x47: {  	v0 =	vadd.f32 v1, v0;
	_ =	sdelay $0x1  }
0x48: {  	[tilespmem:s25+$0x0] =	vst v0;
	v0 =	vld [tilespmem:s25+$0x10]  }
0x49: {  	v1 =	vld [tilespmem:s23+$0x10];
	_ =	sdelay $0x4  }
0x4a: {  	v0 =	vadd.f32 v1, v0;
	_ =	sdelay $0x1  }
0x4b: {  	[tilespmem:s25+$0x10] =	vst v0;
	v0 =	vld [tilespmem:s25+$0x20]  }
0x4c: {  	v1 =	vld [tilespmem:s23+$0x20];
	_ =	sdelay $0x4  }
0x4d: {  	v0 =	vadd.f32 v1, v0;
	_ =	sdelay $0x1  }
0x4e: {  	[tilespmem:s25+$0x20] =	vst v0;
	v0 =	vld [tilespmem:s25+$0x30]  }
0x4f: {  	v1 =	vld [tilespmem:s23+$0x30];
	_ =	sdelay $0x1  }
.Ltmp0:
0x50: {  	(pc) =	sbr.rel @p1 .LBB2_3-.Ltmp0, $3  }
0x51: {  	_ =	sdelay $0x1  }
0x52: {  	v0 =	vadd.f32 v1, v0  }
0x53: {  	s25 =	sadd.s32 $0x80, s25  }
0x54: {  	p1 =	sne.s32 s19, $0xF  }
.Ltmp1:
0x55: {  	_ = 	snop;
	(pc) =	sbr.rel @p1 .LBB2_6-.Ltmp1, $4  }
0x56: {  	s21 =	sadd.s32 s4, s21  }
0x57: {  	s21 =	sshll.u32 s21, $0x3  }
0x58: {  	[tilespmem:s22+$0x30] =	vst v0;
	s21 =	sadd.s32 s2, s21  }
0x59: {  	[hbm4b:s21+s3] =	stream.linear.scatter [tilespmem:s12], [sflag:$0x3], $0x3200, $0x38;
	[tilespmem:$0xAF00] =	vst v63  }
.Ltmp2:
0x5a: {  	(pc) =	sbr.rel .LBB2_7-.Ltmp2, $4  }
0x5b: {  	_ = 	snop  }
0x5c: {  	_ =	swait.ge [sflag:s15], $0x3200  }
0x5d: {  	[sflag:s15] =	ssyncset.done $0x0  }
0x5e: {  	[sflag:s15] =	ssyncadd.s32 $0xFFFFCE00  }
.LBB2_6:
0x5f: {  	s21 =	smul.u32 $0x640, s19;
	_ =	sdelay $0x1  }
0x60: {  	s21 =	sshra.s32 s21, $0x2  }
.Ltmp3:
0x61: {  	s21 =	sadd.s32 $0x190, s21;
	(pc) =	sbr.rel @p0 .LBB2_8-.Ltmp3, $4  }
0x62: {  	[tilespmem:s12], [sflag:$0x1] =	stream.indirect.gather [hbm4b:s5+s11], $0x40, s21, s11, $0xb8;
	[tilespmem:$0xAF00] =	vst v63  }
0x63: {  	_ =	swait.ge [sflag:s15], $0x3200  }
0x64: {  	[sflag:s15] =	ssyncset.done $0x0  }
0x65: {  	[sflag:s15] =	ssyncadd.s32 $0xFFFFCE00  }
.LBB2_7:
0x66: {  	_ =	swait.ge [sflag:s16], $0x3200  }
0x67: {  	[sflag:s16] =	ssyncset.done $0x0  }
0x68: {  	[sflag:s16] =	ssyncadd.s32 $0xFFFFCE00  }
.LBB2_8:
0x69: {  	s21 =	simm.s32 $0x4B40  }
0x6a: {  	s22 =	simm.s32 $0x7D40;
	v0 =	vld [tilespmem:s21+$0xFFFFFFC0]  }
0x6b: {  	v1 =	vld [tilespmem:s22+$0xFFFFFFC0];
	_ =	sdelay $0x4  }
0x6c: {  	v0 =	vadd.f32 v1, v0;
	_ =	sdelay $0x1  }
0x6d: {  	[tilespmem:s21+$0xFFFFFFC0] =	vst v0;
	v0 =	vld [tilespmem:s21+$0xFFFFFFD0]  }
0x6e: {  	v1 =	vld [tilespmem:s22+$0xFFFFFFD0];
	_ =	sdelay $0x4  }
0x6f: {  	v0 =	vadd.f32 v1, v0;
	_ =	sdelay $0x1  }
0x70: {  	[tilespmem:s21+$0xFFFFFFD0] =	vst v0;
	v0 =	vld [tilespmem:s21+$0xFFFFFFE0]  }
0x71: {  	v1 =	vld [tilespmem:s22+$0xFFFFFFE0];
	_ =	sdelay $0x4  }
0x72: {  	v0 =	vadd.f32 v1, v0;
	_ =	sdelay $0x1  }
0x73: {  	[tilespmem:s21+$0xFFFFFFE0] =	vst v0;
	v0 =	vld [tilespmem:s21+$0xFFFFFFF0]  }
0x74: {  	v1 =	vld [tilespmem:s22+$0xFFFFFFF0];
	_ =	sdelay $0x4  }
0x75: {  	v0 =	vadd.f32 v1, v0;
	_ =	sdelay $0x1  }
0x76: {  	[tilespmem:s21+$0xFFFFFFF0] =	vst v0;
	v0 =	vld [tilespmem:s21+$0x0]  }
0x77: {  	v1 =	vld [tilespmem:s22+$0x0];
	_ =	sdelay $0x4  }
0x78: {  	v0 =	vadd.f32 v1, v0;
	_ =	sdelay $0x1  }
0x79: {  	[tilespmem:s21+$0x0] =	vst v0;
	v0 =	vld [tilespmem:s21+$0x10]  }
0x7a: {  	v1 =	vld [tilespmem:s22+$0x10];
	_ =	sdelay $0x4  }
0x7b: {  	v0 =	vadd.f32 v1, v0;
	_ =	sdelay $0x1  }
0x7c: {  	[tilespmem:s21+$0x10] =	vst v0;
	v0 =	vld [tilespmem:s21+$0x20]  }
0x7d: {  	v1 =	vld [tilespmem:s22+$0x20];
	_ =	sdelay $0x4  }
0x7e: {  	v0 =	vadd.f32 v1, v0;
	_ =	sdelay $0x1  }
0x7f: {  	[tilespmem:s21+$0x20] =	vst v0;
	v0 =	vld [tilespmem:s21+$0x30]  }
0x80: {  	v1 =	vld [tilespmem:s22+$0x30];
	_ =	sdelay $0x4  }
0x81: {  	v0 =	vadd.f32 v1, v0  }
0x82: {  	s23 =	simm.s32 $0x0;
	s24 =	simm.s32 $0x4BC0  }
.LBB2_9:
0x83: {  	v1 =	vld [tilespmem:s24+$0xFFFFFFC0];
	[tilespmem:s21+$0x30] =	vst v0;
	s22 =	sadd.s32 $0x80, s22;
	s21 =	smov.u32 s24  }
0x84: {  	s23 =	sadd.s32 $0x2, s23;
	v0 =	vld [tilespmem:s22+$0xFFFFFFC0]  }
0x85: {  	p0 =	slt.u32 s23, $0xC6;
	_ =	sdelay $0x3  }
0x86: {  	v0 =	vadd.f32 v0, v1;
	_ =	sdelay $0x1  }
0x87: {  	[tilespmem:s24+$0xFFFFFFC0] =	vst v0;
	v0 =	vld [tilespmem:s24+$0xFFFFFFD0]  }
0x88: {  	v1 =	vld [tilespmem:s22+$0xFFFFFFD0];
	_ =	sdelay $0x4  }
0x89: {  	v0 =	vadd.f32 v1, v0;
	_ =	sdelay $0x1  }
0x8a: {  	[tilespmem:s24+$0xFFFFFFD0] =	vst v0;
	v0 =	vld [tilespmem:s24+$0xFFFFFFE0]  }
0x8b: {  	v1 =	vld [tilespmem:s22+$0xFFFFFFE0];
	_ =	sdelay $0x4  }
0x8c: {  	v0 =	vadd.f32 v1, v0;
	_ =	sdelay $0x1  }
0x8d: {  	[tilespmem:s24+$0xFFFFFFE0] =	vst v0;
	v0 =	vld [tilespmem:s24+$0xFFFFFFF0]  }
0x8e: {  	v1 =	vld [tilespmem:s22+$0xFFFFFFF0];
	_ =	sdelay $0x4  }
0x8f: {  	v0 =	vadd.f32 v1, v0;
	_ =	sdelay $0x1  }
0x90: {  	[tilespmem:s24+$0xFFFFFFF0] =	vst v0;
	v0 =	vld [tilespmem:s24+$0x0]  }
0x91: {  	v1 =	vld [tilespmem:s22+$0x0];
	_ =	sdelay $0x4  }
0x92: {  	v0 =	vadd.f32 v1, v0;
	_ =	sdelay $0x1  }
0x93: {  	[tilespmem:s24+$0x0] =	vst v0;
	v0 =	vld [tilespmem:s24+$0x10]  }
0x94: {  	v1 =	vld [tilespmem:s22+$0x10];
	_ =	sdelay $0x4  }
0x95: {  	v0 =	vadd.f32 v1, v0;
	_ =	sdelay $0x1  }
0x96: {  	[tilespmem:s24+$0x10] =	vst v0;
	v0 =	vld [tilespmem:s24+$0x20]  }
0x97: {  	v1 =	vld [tilespmem:s22+$0x20];
	_ =	sdelay $0x4  }
0x98: {  	v0 =	vadd.f32 v1, v0;
	_ =	sdelay $0x1  }
0x99: {  	[tilespmem:s24+$0x20] =	vst v0;
	v0 =	vld [tilespmem:s24+$0x30]  }
0x9a: {  	v1 =	vld [tilespmem:s22+$0x30];
	_ =	sdelay $0x1  }
.Ltmp4:
0x9b: {  	(pc) =	sbr.rel @p0 .LBB2_9-.Ltmp4, $3  }
0x9c: {  	_ =	sdelay $0x1  }
0x9d: {  	v0 =	vadd.f32 v1, v0  }
0x9e: {  	s24 =	sadd.s32 $0x80, s24  }
0x9f: {  	s19 =	sadd.s32 $0x1, s19  }
0xa0: {  	p0 =	sne.s32 s19, $0x10  }
.Ltmp5:
0xa1: {  	s20 =	sadd.s32 s4, s20;
	(pc) =	sbr.rel @p0 .LBB2_2-.Ltmp5, $4  }
0xa2: {  	s20 =	sshll.u32 s20, $0x3  }
0xa3: {  	s20 =	sand.u32 $0x1FFFFFC0, s20  }
0xa4: {  	[tilespmem:s21+$0x30] =	vst v0;
	s20 =	sadd.s32 s2, s20  }
0xa5: {  	[hbm4b:s20+s3] =	stream.linear.scatter [tilespmem:s13], [sflag:$0x4], $0x3200, $0x38;
	[tilespmem:$0xAF00] =	vst v63  }
0xa6: {  	s18 =	sadd.s32 $0x1, s18  }
0xa7: {  	_ =	swait.ge [sflag:s17], $0x3200;
	p0 =	sne.s32 s18, s8  }
.Ltmp6:
0xa8: {  	[sflag:s17] =	ssyncset.done $0x0;
	(pc) =	sbr.rel @p0 .LBB2_1-.Ltmp6, $4  }
0xa9: {  	[sflag:s17] =	ssyncadd.s32 $0xFFFFCE00  }
0xaa: {  	_ =	swait.ge [sflag:s16], $0x3200  }
0xab: {  	[sflag:s16] =	ssyncset.done $0x0  }
0xac: {  	[sflag:s16] =	ssyncadd.s32 $0xFFFFCE00  }
0xad: {  	_ =	sfence.sel $0x180000  }
0xae: {  	[bflag:$0x0] =	sbarrier.arrive $0xFFFF  }
0xaf: {  	p0 =	sne.s32 s0, $0x0;
	_ =	strace $0x90000047  }
0xb0: {  	s0 =	sadd.s32 @!p0 $0x100000, s1;
	[bflag:$0x2] =	sbarrier.arrive $0xFFFF  }
0xb1: {  	[sflag:s0] =	ssyncadd.tile.s32 @!p0 $0x1;
	_ =	shalt  }
.Lfunc_end2:
_tile_overlayer_lowered:
.L_overlay_start_2:
0xb2: {  	(tag) =	ssettag $0x2  }
0xb3: {  	s0 =	rddreg [dreg:$0x0];
	s2 =	stileid.u32  }
0xb4: {  	s1 =	rddreg [dreg:$0x1];
	p0 =	sne.s32 s2, $0x0  }
0xb5: {  	s3 =	rddreg [dreg:$0x2];
	[bflag:$0x3] =	sbarrier.arrive $0xFFFF;
	s2 =	simm.s32 @!p0 $0x1C05  }
0xb6: {  	[timem:s3], [sflag:s2] =	dma.local @!p0 [hbm:s0], s1  }
0xb7: {  	s0 =	simm.s32 @!p0 $0x5  }
0xb8: {  	_ =	swait.ge @!p0 [sflag:s0], s1  }
0xb9: {  	s1 =	ssub.s32 @!p0 $0x0, s1;
	[sflag:s0] =	ssyncset.done @!p0 $0x0  }
0xba: {  	[sflag:s0] =	ssyncadd.s32 @!p0 s1  }
0xbb: {  	[bflag:$0x3] =	sbarrier.arrive $0xFFFF  }
0xbc: {  	_ =	shalt  }

// kernel: sparse-core-data-format-call.cloned.1.call-start
scs
called_computation_lowered:
.L_overlay_start_0:
0x0: {  	s2 =	sld [smem:$0x3FD9]  }
0x1: {  	s3 =	sld [smem:$0x3FFE];
	_ =	sdelay $0x1  }
0x2: {  	s1 =	srdreg.scid  }
0x3: {  	s0 =	sand.u32 $0x1, s1  }
0x4: {  	s18 =	sshll.u32 s0, $0xA;
	s2 =	sadd.s32 s3, s2  }
0x5: {  	s2 =	sadd.s32 s2, s18  }
0x6: {  	[smem:$0x3FC5] =	sst s2  }
0x7: {  	_ = 	snop  }
0x8: {  	s2 =	sld [smem:$0x3FD0];
	(tm) =	ssettm $0x1  }
0x9: {  	s19 =	sld [smem:$0x3FFB];
	_ =	sdelay $0x3  }
0xa: {  	_ =	strace s19  }
0xb: {  	s3 =	sld [smem:$0x3FFC];
	_ =	sdelay $0x3  }
0xc: {  	_ =	strace s3  }
0xd: {  	s3 =	sld [smem:$0x3FFD];
	_ =	sdelay $0x3  }
0xe: {  	_ =	strace s3  }
0xf: {  	_ =	strace $0x8FFFFFFF  }
0x10: {  	s20 =	sld [smem:$0x3FDB];
	_ =	sdelay $0x1  }
0x11: {  	s4 =	simm.s32 $_scs_section_size  }
0x12: {  	s5 =	simm.s32 $_size__tile_overlayer_lowered;
	s6 =	simm.s32 $_tile_overlayer_lowered  }
0x13: {  	s23 =	simm.s32 $0x1BFF;
	s22 =	sshll.u32 s6, $0x1;
	s3 =	sadd.s32 s4, s20  }
0x14: {  	s7 =	simm.s32 $0x0;
	s21 =	sshll.u32 s5, $0x1;
	s5 =	sadd.s32 s22, s3  }
0x15: {  	[timem:s7], [sflag:s23] =	dma.local [hbm:s5], s21  }
0x16: {  	_ =	swait.ge [sflag:s23], s21  }
0x17: {  	s4 =	ssub.s32 $0x0, s21;
	[sflag:s23] =	ssyncset.done $0x0  }
0x18: {  	[sflag:s23] =	ssyncadd.s32 s4;
	_ =	sdelay $0x1  }
0x19: {  	s24 =	simm.s32 $0x1B8B  }
0x1a: {  	_ =	swait.ge [sflag:s24], $0x1  }
0x1b: {  	[sflag:s24] =	ssyncset.done $0x0  }
0x1c: {  	s26 =	simm.s32 $0x1B8E;
	s25 =	sld [smem:$0x3FFE];
	[sflag:s24] =	ssyncadd.s32 $0xFFFFFFFF  }
0x1d: {  	s27 =	simm.s32 $execute0_lowered;
	[smem:$0x3FD2] =	sst s26  }
0x1e: {  	s5 =	sshll.u32 s27, $0x1;
	_ =	strace $0x80000049;
	[dreg:$0x1] =	wrdreg $0xFFFFFFFF  }
0x1f: {  	s28 =	simm.s32 $_size_execute0_lowered;
	s3 =	sadd.s32 s3, s5;
	[dreg:$0x0] =	wrdreg $0x0  }
0x20: {  	s5 =	sshll.u32 s28, $0x1;
	[dreg:$0x2] =	wrdreg s3  }
0x21: {  	[dreg:$0x3] =	wrdreg s5  }
0x22: {  	[dreg:$0x4] =	wrdreg $0xC0  }
0x23: {  	_ =	task [dreg:s7], $0x5FFFF  }
0x24: {  	[dreg:$0x1] =	wrdreg $0xFFFFFFFF  }
0x25: {  	[dreg:$0x0] =	wrdreg $0x60  }
0x26: {  	[dreg:$0x2] =	wrdreg s25  }
0x27: {  	[dreg:$0x3] =	wrdreg s2  }
0x28: {  	[dreg:$0x4] =	wrdreg $0x9  }
0x29: {  	_ =	task.clear_ibuf [dreg:s7], $0x5FFFF;
	_ =	strace $0x90000049  }
0x2a: {  	s29 =	simm.s32 $0x9;
	_ =	strace $0x8000004B  }
0x2b: {  	_ =	swait.ge [sflag:s29], $0x1  }
0x2c: {  	[sflag:s29] =	ssyncadd.s32 $0xFFFFFFFF  }
0x2d: {  	_ =	strace $0x9000004B  }
0x2e: {  	_ =	sfence  }
0x2f: {  	s30 =	sld [smem:$0x0];
	_ =	sdelay $0x2  }
0x30: {  	s31 =	sshll.u32 s1, $0xD;
	s1 =	sshrl.u32 s1, $0x2  }
0x31: {  	s3 =	sand.u32 $0x4000, s31;
	s1 =	sadd.s32 s1, s30  }
0x32: {  	s0 =	sor.u32 s3, s0;
	s1 =	sshll.u32 s1, $0x11  }
0x33: {  	s0 =	sor.u32 s1, s0  }
0x34: {  	s0 =	sadd.s32 $0x8F2B, s0  }
0x35: {  	[sflag:s0] =	ssyncadd.remote.s32 $0x1  }
0x36: {  	_ =	sfence.sel $0xFFFF  }
0x37: {  	[dreg:$0x0] =	wrdreg $0xFFFFFFFF;
	(pc) =	sbr.abs _section_cstart, $3  }
0x38: {  	[dreg:$0x1] =	wrdreg $0xFFFFFFFF  }
0x39: {  	_ =	task.clear_ibuf [dreg:s7], $0x2FFFF;
	_ =	strace $0x9FFFFFFF  }
0x3a: {  	(tm) =	ssettm $0x7FFFFFFF  }
0x3b: {  	_ =	shalt  }
tec
execute0_lowered:
.L_overlay_start_1:
0x0: {  	(tag) =	ssettag $0x1  }
0x1: {  	s0 =	stileid.u32;
	s6 =	rddreg [dreg:$0x0]  }
0x2: {  	s2 =	rddreg [dreg:$0x1];
	s5 =	srdreg.scid  }
0x3: {  	s31 =	simm.s32 $0x2;
	s13 =	simm.s32 $0x0;
	s1 =	sshll.u32 s0, $0x7  }
0x4: {  	s14 =	simm.s32 $0x0;
	s12 =	simm.s32 $0x0;
	s3 =	sand.u32 $0x380, s1  }
0x5: {  	s5 =	sshll.u32 s5, $0x4;
	s6 =	sadd.s32 $0xA00, s6;
	s4 =	ssub.s32 $0x400, s3  }
0x6: {  	s1 =	rddreg [dreg:$0x2];
	_ =	strace $0x8000004A;
	s7 =	sand.u32 $0x380, s4  }
0x7: {  	s5 =	sand.u32 $0x10, s5;
	p0 =	sne.s32 s7, $0x0;
	s7 =	simm.s32 $0x1  }
.Ltmp0:
0x8: {  	s8 =	sshrl.u32 s4, $0xA;
	s7 =	simm.s32 @!p0 $0x0;
	(pc) =	sbr.rel .LBB1_1-.Ltmp0, $4  }
0x9: {  	s9 =	sor.u32 s0, s5;
	s4 =	simm.s32 $0x1;
	s30 =	sadd.s32 s7, s8  }
0xa: {  	s11 =	smov.u32 s3;
	[sflag:s4] =	ssyncpa.u1 $0x0;
	s5 =	smul.u32 $0x32, s30  }
0xb: {  	[sflag:s31] =	ssyncpa.u1 $0x0;
	p0 =	por $0x0, $0x0;
	s7 =	sshrl.u32 s9, $0x3  }
0xc: {  	s9 =	simm.s32 $0x2000;
	s10 =	smov.u32 s7;
	s8 =	sor.u32 $0x1, s5  }
.LBB1_4:
0xd: {  	s17 =	sand.u32 $0x1F80, s14;
	s13 =	sshll.u32 s13, $0xD  }
0xe: {  	[tilespmem:s16+$0x810 ss:$0x81] =	vst.msk $0xffff, v2;
	s18 =	sshrl.u32 s14, $0x3;
	s31 =	sand.u32 $0x7, s14;
	s17 =	sadd.s32 s2, s17  }
0xf: {  	[tilespmem:s16+$0x1020 ss:$0x81] =	vst.msk $0xffff, v0;
	s18 =	sand.u32 $0xF, s18;
	s14 =	sshll.u32 s31, $0x12;
	s13 =	sadd.s32 s13, s17  }
0x10: {  	[tilespmem:s16+$0x0 ss:$0x81] =	vst.msk $0xffff, v1;
	s14 =	sor.u32 $0x400, s14;
	s13 =	sadd.s32 s18, s13  }
0x11: {  	[hbm4b:s13+s14] =	stream.strided.scatter [tilespmem:s15], [sflag:$0x2], $0x2000, s9, s14, $0x20;
	[tilespmem:$0x8080] =	vst v63  }
.LBB1_5:
0x12: {  	s15 =	sadd.s32 $0x4, s10  }
0x13: {  	s13 =	sadd.s32 $0x400, s11;
	s17 =	smov.u32 s11;
	p2 =	sgt.s32 s15, $0xC7  }
0x14: {  	s17 =	smov.u32 @p2 s13  }
0x15: {  	s15 =	smov.u32 @p2 s7;
	p2 =	sgt.s32 s17, $0x3FF  }
0x16: {  	s17 =	smov.u32 @p2 s3;
	p2 =	sne.s32 s12, s8  }
.Ltmp1:
0x17: {  	p1 =	slt.u32 s12, $0x2;
	(pc) =	sbr.rel @!p2 .LBB1_6-.Ltmp1, $4  }
0x18: {  	s16 =	simm.s32 @!p1 $0x2  }
0x19: {  	s14 =	smov.u32 s11;
	p0 =	por !p0, !p0;
	_ =	swait.ge @!p1 [sflag:s16], $0x2000  }
0x1a: {  	s13 =	smov.u32 s10;
	[sflag:s16] =	ssyncset.done @!p1 $0x0;
	s10 =	smov.u32 s15  }
0x1b: {  	s12 =	sadd.s32 $0x1, s12;
	[sflag:s16] =	ssyncadd.s32 @!p1 $0xFFFFE000;
	s11 =	smov.u32 s17  }
.LBB1_1:
0x1c: {  	p1 =	sge.u32 s12, s5  }
0x1d: {  	s15 =	sand.u32 @!p1 $0x1FFFFFF, s10  }
0x1e: {  	s16 =	smulhi.u32 @!p1 $0x147AE15, s15;
	_ =	sdelay $0x1  }
0x1f: {  	s16 =	smul.u32 @!p1 $0xC8, s16  }
0x20: {  	s17 =	sxor.u32 @!p1 $0xFFFFFFFF, s12;
	s18 =	smul.u32 @!p1 $0xC80, s11  }
0x21: {  	s31 =	sadd.s32 $0xFFFFFFFF, s12;
	s17 =	sshll.u32 @!p1 s17, $0xD;
	s15 =	ssub.s32 @!p1 s15, s16  }
0x22: {  	s16 =	sand.u32 @!p1 $0x2000, s17;
	s17 =	sadd.s32 @!p1 s6, s18;
	s15 =	sshll.u32 @!p1 s15, $0x4  }
0x23: {  	s18 =	simm.s32 @!p1 $0x6400;
	s15 =	sadd.s32 @!p1 s15, s17;
	s17 =	simm.s32 @!p1 $0x40  }
0x24: {  	[tilespmem:s16], [sflag:$0x1] =	stream.strided.gather @!p1 [hbm4b:s15+s17], $0x2000, s18, s17, $0x38;
	[tilespmem:$0x8080] =	vst v63  }
0x25: {  	p1 =	sge.u32 s31, s5  }
.Ltmp2:
0x26: {  	_ = 	snop;
	(pc) =	sbr.rel @p1 .LBB1_5-.Ltmp2, $1  }
0x27: {  	_ =	sdelay $0x3  }
0x28: {  	s15 =	simm.s32 $0x1  }
0x29: {  	_ =	swait.ge [sflag:s4], $0x2000;
	s15 =	simm.s32 @!p0 $0x0  }
0x2a: {  	[sflag:s4] =	ssyncset.done $0x0;
	s16 =	sshll.u32 s15, $0xD  }
0x2b: {  	[sflag:s4] =	ssyncadd.s32 $0xFFFFE000;
	s19 =	sor.u32 $0x20, s16  }
0x2c: {  	s15 =	smul.u32 $0x8100, s15;
	v3 =	vld [tilespmem:s19+$0x10]  }
0x2d: {  	s30 =	sand.u32 $0x1, s12;
	v2 =	vld [tilespmem:s19+$0xFFFFFFF0]  }
0x2e: {  	s16 =	smul.u32 $0x8100, s30;
	s15 =	sshrl.u32 s15, $0x2;
	v0 =	vld [tilespmem:s19+$0x0]  }
0x2f: {  	v1 =	vld [tilespmem:s19+$0xFFFFFFE0];
	s17 =	sor.u32 $0x4000, s15  }
0x30: {  	s31 =	sshrl.u32 s16, $0x2;
	s16 =	sadd.s32 $0x0, s17  }
0x31: {  	s18 =	simm.s32 $0x4;
	s19 =	sadd.s32 $0x40, s19;
	s15 =	sor.u32 $0x4000, s31;
	[tilespmem:s16+$0x1830 ss:$0x81] =	vst.msk $0xffff, v3  }
.LBB1_3:
0x32: {  	v3 =	vld [tilespmem:s19+$0x10];
	p1 =	sne.s32 s18, $0x1FC;
	[tilespmem:s16+$0x810 ss:$0x81] =	vst.msk $0xffff, v2;
	s20 =	smov.u32 s18;
	s18 =	sadd.s32 $0x4, s18  }
.Ltmp3:
0x33: {  	v2 =	vld [tilespmem:s19+$0xFFFFFFF0];
	[tilespmem:s16+$0x1020 ss:$0x81] =	vst.msk $0xffff, v0;
	(pc) =	sbr.rel @p1 .LBB1_3-.Ltmp3, $4  }
0x34: {  	v0 =	vld [tilespmem:s19+$0x0];
	[tilespmem:s16+$0x0 ss:$0x81] =	vst.msk $0xffff, v1  }
0x35: {  	s16 =	sshra.s32 s20, $0x2;
	v1 =	vld [tilespmem:s19+$0xFFFFFFE0]  }
0x36: {  	s16 =	sadd.s32 s16, s17  }
0x37: {  	s19 =	sadd.s32 $0x40, s19;
	[tilespmem:s16+$0x1830 ss:$0x81] =	vst.msk $0xffff, v3  }
.Ltmp4:
0x38: {  	_ = 	snop;
	(pc) =	sbr.rel .LBB1_4-.Ltmp4, $1  }
0x39: {  	_ =	sdelay $0x3  }
.LBB1_6:
0x3a: {  	_ =	sfence.sel $0x180000  }
0x3b: {  	s2 =	simm.s32 $0x1;
	[bflag:$0x0] =	sbarrier.arrive $0xFFFF  }
0x3c: {  	s31 =	simm.s32 $0x2;
	[sflag:s2] =	ssyncpa.u1 $0x1  }
0x3d: {  	[sflag:s31] =	ssyncpa.u1 $0x1  }
0x3e: {  	p0 =	sne.s32 s0, $0x0;
	_ =	strace $0x9000004A  }
0x3f: {  	s0 =	sadd.s32 @!p0 $0x100000, s1;
	[bflag:$0x2] =	sbarrier.arrive $0xFFFF  }
0x40: {  	[sflag:s0] =	ssyncadd.tile.s32 @!p0 $0x1;
	_ =	shalt  }
.Lfunc_end1:
_tile_overlayer_lowered:
.L_overlay_start_2:
0x41: {  	(tag) =	ssettag $0x2  }
0x42: {  	s0 =	rddreg [dreg:$0x0];
	s2 =	stileid.u32  }
0x43: {  	s1 =	rddreg [dreg:$0x1];
	p0 =	sne.s32 s2, $0x0  }
0x44: {  	s3 =	rddreg [dreg:$0x2];
	[bflag:$0x3] =	sbarrier.arrive $0xFFFF;
	s2 =	simm.s32 @!p0 $0x1C01  }
0x45: {  	[timem:s3], [sflag:s2] =	dma.local @!p0 [hbm:s0], s1  }
0x46: {  	s0 =	simm.s32 @!p0 $0x1  }
0x47: {  	_ =	swait.ge @!p0 [sflag:s0], s1  }
0x48: {  	s1 =	ssub.s32 @!p0 $0x0, s1;
	[sflag:s0] =	ssyncset.done @!p0 $0x0  }
0x49: {  	[sflag:s0] =	ssyncadd.s32 @!p0 s1  }
0x4a: {  	[bflag:$0x3] =	sbarrier.arrive $0xFFFF  }
0x4b: {  	_ =	shalt  }

</sc_bundles>
